<compile_context>
chip_gen: v7x
topology: tpu7x:2x2x1
jax: 0.10.2.dev20260603
libtpu: 0.0.44.dev20260713+nightly
codegen_flags: <defaults>
</compile_context>

<pallas_src>
import functools

import jax
import jax.numpy as jnp
from jax import lax
from jax.experimental import pallas as pl
from jax.experimental.pallas import tpu as pltpu
from jax.experimental.pallas import tpu_sc as plsc

_LANES = 16
_TC_BLOCK = 512


def _make_sc_partials(sc_rows, feat_dim, num_classes):
  del num_classes
  info = plsc.get_sparse_core_info()
  nc, ns = info.num_cores, info.num_subcores
  nw = nc * ns
  assert sc_rows % (8 * nw) == 0
  bpw = sc_rows // nw
  ch = bpw // 2 if bpw <= 64 else 32
  assert bpw % ch == 0 and ch % 8 == 0
  nsub = bpw // ch
  groups = feat_dim // _LANES

  mesh = plsc.VectorSubcoreMesh(core_axis_name="c", subcore_axis_name="s")

  @functools.partial(
      pl.kernel,
      mesh=mesh,
      out_type=jax.ShapeDtypeStruct((nw, _LANES), jnp.float32),
      scratch_types=[
          pltpu.VMEM((bpw,), jnp.int32),
          pltpu.VMEM((ch, feat_dim), jnp.float32),
          pltpu.VMEM((ch, feat_dim), jnp.float32),
          pltpu.VMEM((ch, feat_dim), jnp.float32),
          pltpu.VMEM((ch, feat_dim), jnp.float32),
          pltpu.VMEM((_LANES,), jnp.float32),
          pltpu.SemaphoreType.DMA,
          pltpu.SemaphoreType.DMA,
          pltpu.SemaphoreType.DMA,
          pltpu.SemaphoreType.DMA,
      ],
  )
  def sc_kernel(feat_hbm, lab_hbm, cent_hbm, out_hbm,
                idx_v, crows0, crows1, fb0, fb1, acc_v,
                gsem0, gsem1, fsem0, fsem1):
    wid = lax.axis_index("s") * nc + lax.axis_index("c")
    base = wid * bpw
    crows = (crows0, crows1)
    fbufs = (fb0, fb1)
    gsems = (gsem0, gsem1)
    fsems = (fsem0, fsem1)

    pltpu.sync_copy(lab_hbm.at[pl.ds(base, bpw)], idx_v)

    def issue(s):
      b = s % 2
      g = pltpu.async_copy(
          cent_hbm.at[idx_v.at[pl.ds(s * ch, ch)]], crows[b], gsems[b])
      f = pltpu.async_copy(
          feat_hbm.at[pl.ds(base + s * ch, ch)], fbufs[b], fsems[b])
      return g, f

    def accumulate(s, acc):
      b = s % 2
      fb, cb = fbufs[b], crows[b]

      def row_body(r, a):
        for j in range(groups):
          f = fb[r, pl.ds(j * _LANES, _LANES)]
          c = cb[r, pl.ds(j * _LANES, _LANES)]
          d = f - c
          a = a + d * d
        return a

      return lax.fori_loop(0, ch, row_body, acc)

    acc = jnp.zeros((_LANES,), jnp.float32)
    pending = issue(0)
    for s in range(nsub):
      nxt = issue(s + 1) if s + 1 < nsub else None
      pending[0].wait()
      pending[1].wait()
      acc = accumulate(s, acc)
      pending = nxt

    acc_v[...] = acc
    pltpu.sync_copy(acc_v, out_hbm.at[wid])

  return sc_kernel, nw


def _tc_partial(features, labels, centers, split):
  batch, feat_dim = features.shape
  nb = (batch - split) // _TC_BLOCK
  boff = split // _TC_BLOCK
  num_classes = centers.shape[0]

  def body(lab_ref, f_ref, c_ref, o_ref):
    pid = pl.program_id(0)

    @pl.when(pid == 0)
    def _():
      o_ref[...] = jnp.zeros_like(o_ref)

    lab = lab_ref[...]
    onehot = (lab[:, None] == lax.broadcasted_iota(
        jnp.int32, (_TC_BLOCK, num_classes), 1)).astype(jnp.bfloat16)
    g = jnp.dot(onehot, c_ref[...].astype(jnp.bfloat16),
                preferred_element_type=jnp.float32)
    d = f_ref[...] - g
    lane0 = lax.broadcasted_iota(jnp.int32, (1, _LANES), 1) == 0
    o_ref[...] += jnp.where(lane0, jnp.sum(d * d), 0.0)

  return pl.pallas_call(
      body,
      grid=(nb,),
      in_specs=[
          pl.BlockSpec((_TC_BLOCK,), lambda i: (i + boff,)),
          pl.BlockSpec((_TC_BLOCK, feat_dim), lambda i: (i + boff, 0)),
          pl.BlockSpec((num_classes, feat_dim), lambda i: (0, 0)),
      ],
      out_specs=pl.BlockSpec((1, _LANES), lambda i: (0, 0)),
      out_shape=jax.ShapeDtypeStruct((1, _LANES), jnp.float32),
  )(labels, features, centers)


def _tc_combine(sc_partials, tc_partial, batch):
  def body(p_ref, t_ref, o_ref):
    o_ref[0, 0] = (jnp.sum(p_ref[...]) + jnp.sum(t_ref[...])) * (0.5 / batch)

  out = pl.pallas_call(
      body,
      in_specs=[
          pl.BlockSpec(memory_space=pltpu.VMEM),
          pl.BlockSpec(memory_space=pltpu.VMEM),
      ],
      out_specs=pl.BlockSpec(memory_space=pltpu.SMEM),
      out_shape=jax.ShapeDtypeStruct((1, 1), jnp.float32),
  )(sc_partials, tc_partial)
  return out[0, 0]


def kernel(features, labels, centers):
  batch, feat_dim = features.shape
  split = 2048
  labels = labels.astype(jnp.int32)

  sc_kernel, nw = _make_sc_partials(split, feat_dim, centers.shape[0])
  sc_partials = sc_kernel(features, labels, centers)

  tc_part = _tc_partial(features, labels, centers, split)

  return _tc_combine(sc_partials, tc_part, batch)

# --- scband reference (transcript-rebuilt; emitter-appended) ---
"""Pipeline reference for scband-center-loss-73237782331538 (READ-ONLY COPY).

The authoritative reference and input builder live on the scoring server;
editing this copy changes nothing except your own understanding.
"""

import jax, jax.numpy as jnp
import numpy as np

NUM_CLASSES = 1000
FEAT_DIM = 512
BATCH = 4096


def setup_inputs(seed: int = 0) -> dict:
    key = jax.random.key(seed)
    k1, k2, k3 = jax.random.split(key, 3)
    features = jax.random.normal(k1, (BATCH, FEAT_DIM), dtype=jnp.float32)
    labels = jax.random.randint(k2, (BATCH,), 0, NUM_CLASSES, dtype=jnp.int64 if jax.config.jax_enable_x64 else jnp.int32)
    centers = jax.random.normal(k3, (NUM_CLASSES, FEAT_DIM), dtype=jnp.float32)
    return {"features": features, "labels": labels, "centers": centers}


def reference(features, labels, centers):
    batch_size = features.shape[0]
    centers_batch = jnp.take(centers, labels, axis=0)
    loss = jnp.sum(jnp.square(features - centers_batch)) / 2.0 / batch_size
    return loss

if __name__ == "__main__":
    import jax
    _d = setup_inputs()
    print(jax.jit(kernel)(*tuple(_d.values())))

</pallas_src>

<mosaic_0001>
#map = affine_map<(d0, d1) -> (0, 0)>
#map1 = affine_map<(d0, d1) -> (0)>
module attributes {stable_mosaic.version = 14 : i64} {
  func.func @sc_kernel(%arg0: i32, %arg1: i32, %arg2: memref<4096x512xf32, #tpu.memory_space<hbm>>, %arg3: memref<4096xi32, #tpu.memory_space<hbm>>, %arg4: memref<1000x512xf32, #tpu.memory_space<hbm>>, %arg5: memref<32x16xf32, #tpu.memory_space<hbm>>, %arg6: memref<64xi32, #tpu.memory_space<vmem>>, %arg7: memref<32x512xf32, #tpu.memory_space<vmem>>, %arg8: memref<32x512xf32, #tpu.memory_space<vmem>>, %arg9: memref<32x512xf32, #tpu.memory_space<vmem>>, %arg10: memref<32x512xf32, #tpu.memory_space<vmem>>, %arg11: memref<16xf32, #tpu.memory_space<vmem>>, %arg12: memref<!tpu.dma_semaphore, #tpu.memory_space<semaphore_mem>>, %arg13: memref<!tpu.dma_semaphore, #tpu.memory_space<semaphore_mem>>, %arg14: memref<!tpu.dma_semaphore, #tpu.memory_space<semaphore_mem>>, %arg15: memref<!tpu.dma_semaphore, #tpu.memory_space<semaphore_mem>>) attributes {dimension_semantics = [#tpu.dimension_semantics<core_parallel>, #tpu.dimension_semantics<subcore_parallel>], iteration_bounds = array<i64: 2, 16>, scalar_prefetch = 0 : i64, scratch_operands = 10 : i64, tpu.core_type = #tpu.core_type<sc_vector_subcore>, window_params = [{transform_indices = #map}, {transform_indices = #map1}, {transform_indices = #map}, {transform_indices = #map}]} {
    %mul3A = arith.constant 2 : i32
    %mul3A_0 = arith.muli %arg1, %mul3A : i32
    %add3A = arith.addi %mul3A_0, %arg0 : i32
    %mul3A_1 = arith.constant 64 : i32
    %mul3A_2 = arith.muli %add3A, %mul3A_1 : i32
    "tpu.region"() ({
      %run_scoped3A = tpu.sem_alloc : memref<!tpu.dma_semaphore, #tpu.memory_space<semaphore_mem>>
      %dma_start3A_56 = tpu.memref_slice %arg3[%mul3A_2] : memref<4096xi32, #tpu.memory_space<hbm>> -> memref<64xi32, #tpu.memory_space<hbm>>
      %dma_start3A_57 = tpu.memref_slice %arg3[%mul3A_2] : memref<4096xi32, #tpu.memory_space<hbm>> -> memref<64xi32, #tpu.memory_space<hbm>>
      tpu.enqueue_dma source(%dma_start3A_57 : memref<64xi32, #tpu.memory_space<hbm>>) target(%arg6 : memref<64xi32, #tpu.memory_space<vmem>>) target_semaphore(%run_scoped3A : memref<!tpu.dma_semaphore, #tpu.memory_space<semaphore_mem>>)
      %dma_wait3A_58 = tpu.memref_slice %arg3[%mul3A_2] : memref<4096xi32, #tpu.memory_space<hbm>> -> memref<64xi32, #tpu.memory_space<hbm>>
      %dma_wait3A_59 = tpu.memref_slice %arg3[%mul3A_2] : memref<4096xi32, #tpu.memory_space<hbm>> -> memref<64xi32, #tpu.memory_space<hbm>>
      tpu.wait_dma2 semaphore(%run_scoped3A : memref<!tpu.dma_semaphore, #tpu.memory_space<semaphore_mem>>) src(%dma_wait3A_59 : memref<64xi32, #tpu.memory_space<hbm>>) dst(%arg6 : memref<64xi32, #tpu.memory_space<vmem>>)
      tpu.yield
    }) : () -> ()
    %broadcast_in_dim3A = arith.constant 0.000000e+00 : f32
    %broadcast_in_dim3A_3 = vector.broadcast %broadcast_in_dim3A : f32 to vector<16xf32>
    %dma_start3A = arith.constant 0 : i32
    %dma_start3A_4 = tpu.memref_slice %arg6[%dma_start3A] : memref<64xi32, #tpu.memory_space<vmem>> -> memref<32xi32, #tpu.memory_space<vmem>>
    %dma_start3A_5 = arith.constant 0 : i32
    %dma_start3A_6 = arith.constant 0 : i32
    %dma_start3A_7 = tpu.memref_slice %arg4[%dma_start3A_5, %dma_start3A_6] : memref<1000x512xf32, #tpu.memory_space<hbm>> -> memref<1000x512xf32, #tpu.memory_space<hbm>>
    tpu.enqueue_indirect_dma source(%dma_start3A_7 : memref<1000x512xf32, #tpu.memory_space<hbm>>) target(%arg7 : memref<32x512xf32, #tpu.memory_space<vmem>>) offsets(%dma_start3A_4 : memref<32xi32, #tpu.memory_space<vmem>>) semaphore(%arg12 : memref<!tpu.dma_semaphore, #tpu.memory_space<semaphore_mem>>)
    %add3A_8 = arith.constant 0 : i32
    %add3A_9 = arith.addi %mul3A_2, %add3A_8 : i32
    %dma_start3A_10 = arith.constant 0 : i32
    %dma_start3A_11 = tpu.memref_slice %arg2[%add3A_9, %dma_start3A_10] : memref<4096x512xf32, #tpu.memory_space<hbm>> -> memref<32x512xf32, #tpu.memory_space<hbm>>
    %dma_start3A_12 = arith.constant 0 : i32
    %dma_start3A_13 = tpu.memref_slice %arg2[%add3A_9, %dma_start3A_12] : memref<4096x512xf32, #tpu.memory_space<hbm>> -> memref<32x512xf32, #tpu.memory_space<hbm>>
    tpu.enqueue_dma source(%dma_start3A_13 : memref<32x512xf32, #tpu.memory_space<hbm>>) target(%arg9 : memref<32x512xf32, #tpu.memory_space<vmem>>) target_semaphore(%arg14 : memref<!tpu.dma_semaphore, #tpu.memory_space<semaphore_mem>>)
    %dma_start3A_14 = arith.constant 32 : i32
    %dma_start3A_15 = tpu.memref_slice %arg6[%dma_start3A_14] : memref<64xi32, #tpu.memory_space<vmem>> -> memref<32xi32, #tpu.memory_space<vmem>>
    %dma_start3A_16 = arith.constant 0 : i32
    %dma_start3A_17 = arith.constant 0 : i32
    %dma_start3A_18 = tpu.memref_slice %arg4[%dma_start3A_16, %dma_start3A_17] : memref<1000x512xf32, #tpu.memory_space<hbm>> -> memref<1000x512xf32, #tpu.memory_space<hbm>>
    tpu.enqueue_indirect_dma source(%dma_start3A_18 : memref<1000x512xf32, #tpu.memory_space<hbm>>) target(%arg8 : memref<32x512xf32, #tpu.memory_space<vmem>>) offsets(%dma_start3A_15 : memref<32xi32, #tpu.memory_space<vmem>>) semaphore(%arg13 : memref<!tpu.dma_semaphore, #tpu.memory_space<semaphore_mem>>)
    %add3A_19 = arith.constant 32 : i32
    %add3A_20 = arith.addi %mul3A_2, %add3A_19 : i32
    %dma_start3A_21 = arith.constant 0 : i32
    %dma_start3A_22 = tpu.memref_slice %arg2[%add3A_20, %dma_start3A_21] : memref<4096x512xf32, #tpu.memory_space<hbm>> -> memref<32x512xf32, #tpu.memory_space<hbm>>
    %dma_start3A_23 = arith.constant 0 : i32
    %dma_start3A_24 = tpu.memref_slice %arg2[%add3A_20, %dma_start3A_23] : memref<4096x512xf32, #tpu.memory_space<hbm>> -> memref<32x512xf32, #tpu.memory_space<hbm>>
    tpu.enqueue_dma source(%dma_start3A_24 : memref<32x512xf32, #tpu.memory_space<hbm>>) target(%arg10 : memref<32x512xf32, #tpu.memory_space<vmem>>) target_semaphore(%arg15 : memref<!tpu.dma_semaphore, #tpu.memory_space<semaphore_mem>>)
    %dma_wait3A = arith.constant 0 : i32
    %dma_wait3A_25 = tpu.memref_slice %arg6[%dma_wait3A] : memref<64xi32, #tpu.memory_space<vmem>> -> memref<32xi32, #tpu.memory_space<vmem>>
    %dma_wait3A_26 = arith.constant 0 : i32
    %dma_wait3A_27 = arith.constant 0 : i32
    %dma_wait3A_28 = tpu.memref_slice %arg4[%dma_wait3A_26, %dma_wait3A_27] : memref<1000x512xf32, #tpu.memory_space<hbm>> -> memref<1000x512xf32, #tpu.memory_space<hbm>>
    tpu.wait_indirect_dma semaphore(%arg12 : memref<!tpu.dma_semaphore, #tpu.memory_space<semaphore_mem>>) src(%dma_wait3A_28 : memref<1000x512xf32, #tpu.memory_space<hbm>>) dst(%arg7 : memref<32x512xf32, #tpu.memory_space<vmem>>)
    %dma_wait3A_29 = arith.constant 0 : i32
    %dma_wait3A_30 = tpu.memref_slice %arg2[%add3A_9, %dma_wait3A_29] : memref<4096x512xf32, #tpu.memory_space<hbm>> -> memref<32x512xf32, #tpu.memory_space<hbm>>
    %dma_wait3A_31 = arith.constant 0 : i32
    %dma_wait3A_32 = tpu.memref_slice %arg2[%add3A_9, %dma_wait3A_31] : memref<4096x512xf32, #tpu.memory_space<hbm>> -> memref<32x512xf32, #tpu.memory_space<hbm>>
    tpu.wait_dma2 semaphore(%arg14 : memref<!tpu.dma_semaphore, #tpu.memory_space<semaphore_mem>>) src(%dma_wait3A_32 : memref<32x512xf32, #tpu.memory_space<hbm>>) dst(%arg9 : memref<32x512xf32, #tpu.memory_space<vmem>>)
    %scan3A = arith.constant 0 : i32
    %scan3A_33 = arith.constant 32 : i32
    %scan3A_34 = arith.addi %scan3A, %scan3A_33 : i32
    %scan3A_35 = arith.constant 1 : i32
    %scan3A_36 = scf.for %scan3A_56 = %scan3A to %scan3A_34 step %scan3A_35 iter_args(%scan3A_57 = %broadcast_in_dim3A_3) -> (vector<16xf32>)  : i32 {
      %get3A = arith.index_cast %scan3A_56 : i32 to index
      %get3A_58 = arith.constant 0 : index
      %get3A_59 = tpu.vector_load %arg9[%get3A, %get3A_58] {strides = array<i32>} : memref<32x512xf32, #tpu.memory_space<vmem>>, vector<1x16xf32>,
      %get3A_60 = vector.shape_cast %get3A_59 : vector<1x16xf32> to vector<16xf32>
      %get3A_61 = arith.index_cast %scan3A_56 : i32 to index
      %get3A_62 = arith.constant 0 : index
      %get3A_63 = tpu.vector_load %arg7[%get3A_61, %get3A_62] {strides = array<i32>} : memref<32x512xf32, #tpu.memory_space<vmem>>, vector<1x16xf32>,
      %get3A_64 = vector.shape_cast %get3A_63 : vector<1x16xf32> to vector<16xf32>
      %sub3A = arith.subf %get3A_60, %get3A_64 : vector<16xf32>
      %mul3A_65 = arith.mulf %sub3A, %sub3A : vector<16xf32>
      %add3A_66 = arith.addf %scan3A_57, %mul3A_65 : vector<16xf32>
      %get3A_67 = arith.index_cast %scan3A_56 : i32 to index
      %get3A_68 = arith.constant 16 : index
      %get3A_69 = tpu.vector_load %arg9[%get3A_67, %get3A_68] {strides = array<i32>} : memref<32x512xf32, #tpu.memory_space<vmem>>, vector<1x16xf32>,
      %get3A_70 = vector.shape_cast %get3A_69 : vector<1x16xf32> to vector<16xf32>
      %get3A_71 = arith.index_cast %scan3A_56 : i32 to index
      %get3A_72 = arith.constant 16 : index
      %get3A_73 = tpu.vector_load %arg7[%get3A_71, %get3A_72] {strides = array<i32>} : memref<32x512xf32, #tpu.memory_space<vmem>>, vector<1x16xf32>,
      %get3A_74 = vector.shape_cast %get3A_73 : vector<1x16xf32> to vector<16xf32>
      %sub3A_75 = arith.subf %get3A_70, %get3A_74 : vector<16xf32>
      %mul3A_76 = arith.mulf %sub3A_75, %sub3A_75 : vector<16xf32>
      %add3A_77 = arith.addf %add3A_66, %mul3A_76 : vector<16xf32>
      %get3A_78 = arith.index_cast %scan3A_56 : i32 to index
      %get3A_79 = arith.constant 32 : index
      %get3A_80 = tpu.vector_load %arg9[%get3A_78, %get3A_79] {strides = array<i32>} : memref<32x512xf32, #tpu.memory_space<vmem>>, vector<1x16xf32>,
      %get3A_81 = vector.shape_cast %get3A_80 : vector<1x16xf32> to vector<16xf32>
      %get3A_82 = arith.index_cast %scan3A_56 : i32 to index
      %get3A_83 = arith.constant 32 : index
      %get3A_84 = tpu.vector_load %arg7[%get3A_82, %get3A_83] {strides = array<i32>} : memref<32x512xf32, #tpu.memory_space<vmem>>, vector<1x16xf32>,
      %get3A_85 = vector.shape_cast %get3A_84 : vector<1x16xf32> to vector<16xf32>
      %sub3A_86 = arith.subf %get3A_81, %get3A_85 : vector<16xf32>
      %mul3A_87 = arith.mulf %sub3A_86, %sub3A_86 : vector<16xf32>
      %add3A_88 = arith.addf %add3A_77, %mul3A_87 : vector<16xf32>
      %get3A_89 = arith.index_cast %scan3A_56 : i32 to index
      %get3A_90 = arith.constant 48 : index
      %get3A_91 = tpu.vector_load %arg9[%get3A_89, %get3A_90] {strides = array<i32>} : memref<32x512xf32, #tpu.memory_space<vmem>>, vector<1x16xf32>,
      %get3A_92 = vector.shape_cast %get3A_91 : vector<1x16xf32> to vector<16xf32>
      %get3A_93 = arith.index_cast %scan3A_56 : i32 to index
      %get3A_94 = arith.constant 48 : index
      %get3A_95 = tpu.vector_load %arg7[%get3A_93, %get3A_94] {strides = array<i32>} : memref<32x512xf32, #tpu.memory_space<vmem>>, vector<1x16xf32>,
      %get3A_96 = vector.shape_cast %get3A_95 : vector<1x16xf32> to vector<16xf32>
      %sub3A_97 = arith.subf %get3A_92, %get3A_96 : vector<16xf32>
      %mul3A_98 = arith.mulf %sub3A_97, %sub3A_97 : vector<16xf32>
      %add3A_99 = arith.addf %add3A_88, %mul3A_98 : vector<16xf32>
      %get3A_100 = arith.index_cast %scan3A_56 : i32 to index
      %get3A_101 = arith.constant 64 : index
      %get3A_102 = tpu.vector_load %arg9[%get3A_100, %get3A_101] {strides = array<i32>} : memref<32x512xf32, #tpu.memory_space<vmem>>, vector<1x16xf32>,
      %get3A_103 = vector.shape_cast %get3A_102 : vector<1x16xf32> to vector<16xf32>
      %get3A_104 = arith.index_cast %scan3A_56 : i32 to index
      %get3A_105 = arith.constant 64 : index
      %get3A_106 = tpu.vector_load %arg7[%get3A_104, %get3A_105] {strides = array<i32>} : memref<32x512xf32, #tpu.memory_space<vmem>>, vector<1x16xf32>,
      %get3A_107 = vector.shape_cast %get3A_106 : vector<1x16xf32> to vector<16xf32>
      %sub3A_108 = arith.subf %get3A_103, %get3A_107 : vector<16xf32>
      %mul3A_109 = arith.mulf %sub3A_108, %sub3A_108 : vector<16xf32>
      %add3A_110 = arith.addf %add3A_99, %mul3A_109 : vector<16xf32>
      %get3A_111 = arith.index_cast %scan3A_56 : i32 to index
      %get3A_112 = arith.constant 80 : index
      %get3A_113 = tpu.vector_load %arg9[%get3A_111, %get3A_112] {strides = array<i32>} : memref<32x512xf32, #tpu.memory_space<vmem>>, vector<1x16xf32>,
      %get3A_114 = vector.shape_cast %get3A_113 : vector<1x16xf32> to vector<16xf32>
      %get3A_115 = arith.index_cast %scan3A_56 : i32 to index
      %get3A_116 = arith.constant 80 : index
      %get3A_117 = tpu.vector_load %arg7[%get3A_115, %get3A_116] {strides = array<i32>} : memref<32x512xf32, #tpu.memory_space<vmem>>, vector<1x16xf32>,
      %get3A_118 = vector.shape_cast %get3A_117 : vector<1x16xf32> to vector<16xf32>
      %sub3A_119 = arith.subf %get3A_114, %get3A_118 : vector<16xf32>
      %mul3A_120 = arith.mulf %sub3A_119, %sub3A_119 : vector<16xf32>
      %add3A_121 = arith.addf %add3A_110, %mul3A_120 : vector<16xf32>
      %get3A_122 = arith.index_cast %scan3A_56 : i32 to index
      %get3A_123 = arith.constant 96 : index
      %get3A_124 = tpu.vector_load %arg9[%get3A_122, %get3A_123] {strides = array<i32>} : memref<32x512xf32, #tpu.memory_space<vmem>>, vector<1x16xf32>,
      %get3A_125 = vector.shape_cast %get3A_124 : vector<1x16xf32> to vector<16xf32>
      %get3A_126 = arith.index_cast %scan3A_56 : i32 to index
      %get3A_127 = arith.constant 96 : index
      %get3A_128 = tpu.vector_load %arg7[%get3A_126, %get3A_127] {strides = array<i32>} : memref<32x512xf32, #tpu.memory_space<vmem>>, vector<1x16xf32>,
      %get3A_129 = vector.shape_cast %get3A_128 : vector<1x16xf32> to vector<16xf32>
      %sub3A_130 = arith.subf %get3A_125, %get3A_129 : vector<16xf32>
      %mul3A_131 = arith.mulf %sub3A_130, %sub3A_130 : vector<16xf32>
      %add3A_132 = arith.addf %add3A_121, %mul3A_131 : vector<16xf32>
      %get3A_133 = arith.index_cast %scan3A_56 : i32 to index
      %get3A_134 = arith.constant 112 : index
      %get3A_135 = tpu.vector_load %arg9[%get3A_133, %get3A_134] {strides = array<i32>} : memref<32x512xf32, #tpu.memory_space<vmem>>, vector<1x16xf32>,
      %get3A_136 = vector.shape_cast %get3A_135 : vector<1x16xf32> to vector<16xf32>
      %get3A_137 = arith.index_cast %scan3A_56 : i32 to index
      %get3A_138 = arith.constant 112 : index
      %get3A_139 = tpu.vector_load %arg7[%get3A_137, %get3A_138] {strides = array<i32>} : memref<32x512xf32, #tpu.memory_space<vmem>>, vector<1x16xf32>,
      %get3A_140 = vector.shape_cast %get3A_139 : vector<1x16xf32> to vector<16xf32>
      %sub3A_141 = arith.subf %get3A_136, %get3A_140 : vector<16xf32>
      %mul3A_142 = arith.mulf %sub3A_141, %sub3A_141 : vector<16xf32>
      %add3A_143 = arith.addf %add3A_132, %mul3A_142 : vector<16xf32>
      %get3A_144 = arith.index_cast %scan3A_56 : i32 to index
      %get3A_145 = arith.constant 128 : index
      %get3A_146 = tpu.vector_load %arg9[%get3A_144, %get3A_145] {strides = array<i32>} : memref<32x512xf32, #tpu.memory_space<vmem>>, vector<1x16xf32>,
      %get3A_147 = vector.shape_cast %get3A_146 : vector<1x16xf32> to vector<16xf32>
      %get3A_148 = arith.index_cast %scan3A_56 : i32 to index
      %get3A_149 = arith.constant 128 : index
      %get3A_150 = tpu.vector_load %arg7[%get3A_148, %get3A_149] {strides = array<i32>} : memref<32x512xf32, #tpu.memory_space<vmem>>, vector<1x16xf32>,
      %get3A_151 = vector.shape_cast %get3A_150 : vector<1x16xf32> to vector<16xf32>
      %sub3A_152 = arith.subf %get3A_147, %get3A_151 : vector<16xf32>
      %mul3A_153 = arith.mulf %sub3A_152, %sub3A_152 : vector<16xf32>
      %add3A_154 = arith.addf %add3A_143, %mul3A_153 : vector<16xf32>
      %get3A_155 = arith.index_cast %scan3A_56 : i32 to index
      %get3A_156 = arith.constant 144 : index
      %get3A_157 = tpu.vector_load %arg9[%get3A_155, %get3A_156] {strides = array<i32>} : memref<32x512xf32, #tpu.memory_space<vmem>>, vector<1x16xf32>,
      %get3A_158 = vector.shape_cast %get3A_157 : vector<1x16xf32> to vector<16xf32>
      %get3A_159 = arith.index_cast %scan3A_56 : i32 to index
      %get3A_160 = arith.constant 144 : index
      %get3A_161 = tpu.vector_load %arg7[%get3A_159, %get3A_160] {strides = array<i32>} : memref<32x512xf32, #tpu.memory_space<vmem>>, vector<1x16xf32>,
      %get3A_162 = vector.shape_cast %get3A_161 : vector<1x16xf32> to vector<16xf32>
      %sub3A_163 = arith.subf %get3A_158, %get3A_162 : vector<16xf32>
      %mul3A_164 = arith.mulf %sub3A_163, %sub3A_163 : vector<16xf32>
      %add3A_165 = arith.addf %add3A_154, %mul3A_164 : vector<16xf32>
      %get3A_166 = arith.index_cast %scan3A_56 : i32 to index
      %get3A_167 = arith.constant 160 : index
      %get3A_168 = tpu.vector_load %arg9[%get3A_166, %get3A_167] {strides = array<i32>} : memref<32x512xf32, #tpu.memory_space<vmem>>, vector<1x16xf32>,
      %get3A_169 = vector.shape_cast %get3A_168 : vector<1x16xf32> to vector<16xf32>
      %get3A_170 = arith.index_cast %scan3A_56 : i32 to index
      %get3A_171 = arith.constant 160 : index
      %get3A_172 = tpu.vector_load %arg7[%get3A_170, %get3A_171] {strides = array<i32>} : memref<32x512xf32, #tpu.memory_space<vmem>>, vector<1x16xf32>,
      %get3A_173 = vector.shape_cast %get3A_172 : vector<1x16xf32> to vector<16xf32>
      %sub3A_174 = arith.subf %get3A_169, %get3A_173 : vector<16xf32>
      %mul3A_175 = arith.mulf %sub3A_174, %sub3A_174 : vector<16xf32>
      %add3A_176 = arith.addf %add3A_165, %mul3A_175 : vector<16xf32>
      %get3A_177 = arith.index_cast %scan3A_56 : i32 to index
      %get3A_178 = arith.constant 176 : index
      %get3A_179 = tpu.vector_load %arg9[%get3A_177, %get3A_178] {strides = array<i32>} : memref<32x512xf32, #tpu.memory_space<vmem>>, vector<1x16xf32>,
      %get3A_180 = vector.shape_cast %get3A_179 : vector<1x16xf32> to vector<16xf32>
      %get3A_181 = arith.index_cast %scan3A_56 : i32 to index
      %get3A_182 = arith.constant 176 : index
      %get3A_183 = tpu.vector_load %arg7[%get3A_181, %get3A_182] {strides = array<i32>} : memref<32x512xf32, #tpu.memory_space<vmem>>, vector<1x16xf32>,
      %get3A_184 = vector.shape_cast %get3A_183 : vector<1x16xf32> to vector<16xf32>
      %sub3A_185 = arith.subf %get3A_180, %get3A_184 : vector<16xf32>
      %mul3A_186 = arith.mulf %sub3A_185, %sub3A_185 : vector<16xf32>
      %add3A_187 = arith.addf %add3A_176, %mul3A_186 : vector<16xf32>
      %get3A_188 = arith.index_cast %scan3A_56 : i32 to index
      %get3A_189 = arith.constant 192 : index
      %get3A_190 = tpu.vector_load %arg9[%get3A_188, %get3A_189] {strides = array<i32>} : memref<32x512xf32, #tpu.memory_space<vmem>>, vector<1x16xf32>,
      %get3A_191 = vector.shape_cast %get3A_190 : vector<1x16xf32> to vector<16xf32>
      %get3A_192 = arith.index_cast %scan3A_56 : i32 to index
      %get3A_193 = arith.constant 192 : index
      %get3A_194 = tpu.vector_load %arg7[%get3A_192, %get3A_193] {strides = array<i32>} : memref<32x512xf32, #tpu.memory_space<vmem>>, vector<1x16xf32>,
      %get3A_195 = vector.shape_cast %get3A_194 : vector<1x16xf32> to vector<16xf32>
      %sub3A_196 = arith.subf %get3A_191, %get3A_195 : vector<16xf32>
      %mul3A_197 = arith.mulf %sub3A_196, %sub3A_196 : vector<16xf32>
      %add3A_198 = arith.addf %add3A_187, %mul3A_197 : vector<16xf32>
      %get3A_199 = arith.index_cast %scan3A_56 : i32 to index
      %get3A_200 = arith.constant 208 : index
      %get3A_201 = tpu.vector_load %arg9[%get3A_199, %get3A_200] {strides = array<i32>} : memref<32x512xf32, #tpu.memory_space<vmem>>, vector<1x16xf32>,
      %get3A_202 = vector.shape_cast %get3A_201 : vector<1x16xf32> to vector<16xf32>
      %get3A_203 = arith.index_cast %scan3A_56 : i32 to index
      %get3A_204 = arith.constant 208 : index
      %get3A_205 = tpu.vector_load %arg7[%get3A_203, %get3A_204] {strides = array<i32>} : memref<32x512xf32, #tpu.memory_space<vmem>>, vector<1x16xf32>,
      %get3A_206 = vector.shape_cast %get3A_205 : vector<1x16xf32> to vector<16xf32>
      %sub3A_207 = arith.subf %get3A_202, %get3A_206 : vector<16xf32>
      %mul3A_208 = arith.mulf %sub3A_207, %sub3A_207 : vector<16xf32>
      %add3A_209 = arith.addf %add3A_198, %mul3A_208 : vector<16xf32>
      %get3A_210 = arith.index_cast %scan3A_56 : i32 to index
      %get3A_211 = arith.constant 224 : index
      %get3A_212 = tpu.vector_load %arg9[%get3A_210, %get3A_211] {strides = array<i32>} : memref<32x512xf32, #tpu.memory_space<vmem>>, vector<1x16xf32>,
      %get3A_213 = vector.shape_cast %get3A_212 : vector<1x16xf32> to vector<16xf32>
      %get3A_214 = arith.index_cast %scan3A_56 : i32 to index
      %get3A_215 = arith.constant 224 : index
      %get3A_216 = tpu.vector_load %arg7[%get3A_214, %get3A_215] {strides = array<i32>} : memref<32x512xf32, #tpu.memory_space<vmem>>, vector<1x16xf32>,
      %get3A_217 = vector.shape_cast %get3A_216 : vector<1x16xf32> to vector<16xf32>
      %sub3A_218 = arith.subf %get3A_213, %get3A_217 : vector<16xf32>
      %mul3A_219 = arith.mulf %sub3A_218, %sub3A_218 : vector<16xf32>
      %add3A_220 = arith.addf %add3A_209, %mul3A_219 : vector<16xf32>
      %get3A_221 = arith.index_cast %scan3A_56 : i32 to index
      %get3A_222 = arith.constant 240 : index
      %get3A_223 = tpu.vector_load %arg9[%get3A_221, %get3A_222] {strides = array<i32>} : memref<32x512xf32, #tpu.memory_space<vmem>>, vector<1x16xf32>,
      %get3A_224 = vector.shape_cast %get3A_223 : vector<1x16xf32> to vector<16xf32>
      %get3A_225 = arith.index_cast %scan3A_56 : i32 to index
      %get3A_226 = arith.constant 240 : index
      %get3A_227 = tpu.vector_load %arg7[%get3A_225, %get3A_226] {strides = array<i32>} : memref<32x512xf32, #tpu.memory_space<vmem>>, vector<1x16xf32>,
      %get3A_228 = vector.shape_cast %get3A_227 : vector<1x16xf32> to vector<16xf32>
      %sub3A_229 = arith.subf %get3A_224, %get3A_228 : vector<16xf32>
      %mul3A_230 = arith.mulf %sub3A_229, %sub3A_229 : vector<16xf32>
      %add3A_231 = arith.addf %add3A_220, %mul3A_230 : vector<16xf32>
      %get3A_232 = arith.index_cast %scan3A_56 : i32 to index
      %get3A_233 = arith.constant 256 : index
      %get3A_234 = tpu.vector_load %arg9[%get3A_232, %get3A_233] {strides = array<i32>} : memref<32x512xf32, #tpu.memory_space<vmem>>, vector<1x16xf32>,
      %get3A_235 = vector.shape_cast %get3A_234 : vector<1x16xf32> to vector<16xf32>
      %get3A_236 = arith.index_cast %scan3A_56 : i32 to index
      %get3A_237 = arith.constant 256 : index
      %get3A_238 = tpu.vector_load %arg7[%get3A_236, %get3A_237] {strides = array<i32>} : memref<32x512xf32, #tpu.memory_space<vmem>>, vector<1x16xf32>,
      %get3A_239 = vector.shape_cast %get3A_238 : vector<1x16xf32> to vector<16xf32>
      %sub3A_240 = arith.subf %get3A_235, %get3A_239 : vector<16xf32>
      %mul3A_241 = arith.mulf %sub3A_240, %sub3A_240 : vector<16xf32>
      %add3A_242 = arith.addf %add3A_231, %mul3A_241 : vector<16xf32>
      %get3A_243 = arith.index_cast %scan3A_56 : i32 to index
      %get3A_244 = arith.constant 272 : index
      %get3A_245 = tpu.vector_load %arg9[%get3A_243, %get3A_244] {strides = array<i32>} : memref<32x512xf32, #tpu.memory_space<vmem>>, vector<1x16xf32>,
      %get3A_246 = vector.shape_cast %get3A_245 : vector<1x16xf32> to vector<16xf32>
      %get3A_247 = arith.index_cast %scan3A_56 : i32 to index
      %get3A_248 = arith.constant 272 : index
      %get3A_249 = tpu.vector_load %arg7[%get3A_247, %get3A_248] {strides = array<i32>} : memref<32x512xf32, #tpu.memory_space<vmem>>, vector<1x16xf32>,
      %get3A_250 = vector.shape_cast %get3A_249 : vector<1x16xf32> to vector<16xf32>
      %sub3A_251 = arith.subf %get3A_246, %get3A_250 : vector<16xf32>
      %mul3A_252 = arith.mulf %sub3A_251, %sub3A_251 : vector<16xf32>
      %add3A_253 = arith.addf %add3A_242, %mul3A_252 : vector<16xf32>
      %get3A_254 = arith.index_cast %scan3A_56 : i32 to index
      %get3A_255 = arith.constant 288 : index
      %get3A_256 = tpu.vector_load %arg9[%get3A_254, %get3A_255] {strides = array<i32>} : memref<32x512xf32, #tpu.memory_space<vmem>>, vector<1x16xf32>,
      %get3A_257 = vector.shape_cast %get3A_256 : vector<1x16xf32> to vector<16xf32>
      %get3A_258 = arith.index_cast %scan3A_56 : i32 to index
      %get3A_259 = arith.constant 288 : index
      %get3A_260 = tpu.vector_load %arg7[%get3A_258, %get3A_259] {strides = array<i32>} : memref<32x512xf32, #tpu.memory_space<vmem>>, vector<1x16xf32>,
      %get3A_261 = vector.shape_cast %get3A_260 : vector<1x16xf32> to vector<16xf32>
      %sub3A_262 = arith.subf %get3A_257, %get3A_261 : vector<16xf32>
      %mul3A_263 = arith.mulf %sub3A_262, %sub3A_262 : vector<16xf32>
      %add3A_264 = arith.addf %add3A_253, %mul3A_263 : vector<16xf32>
      %get3A_265 = arith.index_cast %scan3A_56 : i32 to index
      %get3A_266 = arith.constant 304 : index
      %get3A_267 = tpu.vector_load %arg9[%get3A_265, %get3A_266] {strides = array<i32>} : memref<32x512xf32, #tpu.memory_space<vmem>>, vector<1x16xf32>,
      %get3A_268 = vector.shape_cast %get3A_267 : vector<1x16xf32> to vector<16xf32>
      %get3A_269 = arith.index_cast %scan3A_56 : i32 to index
      %get3A_270 = arith.constant 304 : index
      %get3A_271 = tpu.vector_load %arg7[%get3A_269, %get3A_270] {strides = array<i32>} : memref<32x512xf32, #tpu.memory_space<vmem>>, vector<1x16xf32>,
      %get3A_272 = vector.shape_cast %get3A_271 : vector<1x16xf32> to vector<16xf32>
      %sub3A_273 = arith.subf %get3A_268, %get3A_272 : vector<16xf32>
      %mul3A_274 = arith.mulf %sub3A_273, %sub3A_273 : vector<16xf32>
      %add3A_275 = arith.addf %add3A_264, %mul3A_274 : vector<16xf32>
      %get3A_276 = arith.index_cast %scan3A_56 : i32 to index
      %get3A_277 = arith.constant 320 : index
      %get3A_278 = tpu.vector_load %arg9[%get3A_276, %get3A_277] {strides = array<i32>} : memref<32x512xf32, #tpu.memory_space<vmem>>, vector<1x16xf32>,
      %get3A_279 = vector.shape_cast %get3A_278 : vector<1x16xf32> to vector<16xf32>
      %get3A_280 = arith.index_cast %scan3A_56 : i32 to index
      %get3A_281 = arith.constant 320 : index
      %get3A_282 = tpu.vector_load %arg7[%get3A_280, %get3A_281] {strides = array<i32>} : memref<32x512xf32, #tpu.memory_space<vmem>>, vector<1x16xf32>,
      %get3A_283 = vector.shape_cast %get3A_282 : vector<1x16xf32> to vector<16xf32>
      %sub3A_284 = arith.subf %get3A_279, %get3A_283 : vector<16xf32>
      %mul3A_285 = arith.mulf %sub3A_284, %sub3A_284 : vector<16xf32>
      %add3A_286 = arith.addf %add3A_275, %mul3A_285 : vector<16xf32>
      %get3A_287 = arith.index_cast %scan3A_56 : i32 to index
      %get3A_288 = arith.constant 336 : index
      %get3A_289 = tpu.vector_load %arg9[%get3A_287, %get3A_288] {strides = array<i32>} : memref<32x512xf32, #tpu.memory_space<vmem>>, vector<1x16xf32>,
      %get3A_290 = vector.shape_cast %get3A_289 : vector<1x16xf32> to vector<16xf32>
      %get3A_291 = arith.index_cast %scan3A_56 : i32 to index
      %get3A_292 = arith.constant 336 : index
      %get3A_293 = tpu.vector_load %arg7[%get3A_291, %get3A_292] {strides = array<i32>} : memref<32x512xf32, #tpu.memory_space<vmem>>, vector<1x16xf32>,
      %get3A_294 = vector.shape_cast %get3A_293 : vector<1x16xf32> to vector<16xf32>
      %sub3A_295 = arith.subf %get3A_290, %get3A_294 : vector<16xf32>
      %mul3A_296 = arith.mulf %sub3A_295, %sub3A_295 : vector<16xf32>
      %add3A_297 = arith.addf %add3A_286, %mul3A_296 : vector<16xf32>
      %get3A_298 = arith.index_cast %scan3A_56 : i32 to index
      %get3A_299 = arith.constant 352 : index
      %get3A_300 = tpu.vector_load %arg9[%get3A_298, %get3A_299] {strides = array<i32>} : memref<32x512xf32, #tpu.memory_space<vmem>>, vector<1x16xf32>,
      %get3A_301 = vector.shape_cast %get3A_300 : vector<1x16xf32> to vector<16xf32>
      %get3A_302 = arith.index_cast %scan3A_56 : i32 to index
      %get3A_303 = arith.constant 352 : index
      %get3A_304 = tpu.vector_load %arg7[%get3A_302, %get3A_303] {strides = array<i32>} : memref<32x512xf32, #tpu.memory_space<vmem>>, vector<1x16xf32>,
      %get3A_305 = vector.shape_cast %get3A_304 : vector<1x16xf32> to vector<16xf32>
      %sub3A_306 = arith.subf %get3A_301, %get3A_305 : vector<16xf32>
      %mul3A_307 = arith.mulf %sub3A_306, %sub3A_306 : vector<16xf32>
      %add3A_308 = arith.addf %add3A_297, %mul3A_307 : vector<16xf32>
      %get3A_309 = arith.index_cast %scan3A_56 : i32 to index
      %get3A_310 = arith.constant 368 : index
      %get3A_311 = tpu.vector_load %arg9[%get3A_309, %get3A_310] {strides = array<i32>} : memref<32x512xf32, #tpu.memory_space<vmem>>, vector<1x16xf32>,
      %get3A_312 = vector.shape_cast %get3A_311 : vector<1x16xf32> to vector<16xf32>
      %get3A_313 = arith.index_cast %scan3A_56 : i32 to index
      %get3A_314 = arith.constant 368 : index
      %get3A_315 = tpu.vector_load %arg7[%get3A_313, %get3A_314] {strides = array<i32>} : memref<32x512xf32, #tpu.memory_space<vmem>>, vector<1x16xf32>,
      %get3A_316 = vector.shape_cast %get3A_315 : vector<1x16xf32> to vector<16xf32>
      %sub3A_317 = arith.subf %get3A_312, %get3A_316 : vector<16xf32>
      %mul3A_318 = arith.mulf %sub3A_317, %sub3A_317 : vector<16xf32>
      %add3A_319 = arith.addf %add3A_308, %mul3A_318 : vector<16xf32>
      %get3A_320 = arith.index_cast %scan3A_56 : i32 to index
      %get3A_321 = arith.constant 384 : index
      %get3A_322 = tpu.vector_load %arg9[%get3A_320, %get3A_321] {strides = array<i32>} : memref<32x512xf32, #tpu.memory_space<vmem>>, vector<1x16xf32>,
      %get3A_323 = vector.shape_cast %get3A_322 : vector<1x16xf32> to vector<16xf32>
      %get3A_324 = arith.index_cast %scan3A_56 : i32 to index
      %get3A_325 = arith.constant 384 : index
      %get3A_326 = tpu.vector_load %arg7[%get3A_324, %get3A_325] {strides = array<i32>} : memref<32x512xf32, #tpu.memory_space<vmem>>, vector<1x16xf32>,
      %get3A_327 = vector.shape_cast %get3A_326 : vector<1x16xf32> to vector<16xf32>
      %sub3A_328 = arith.subf %get3A_323, %get3A_327 : vector<16xf32>
      %mul3A_329 = arith.mulf %sub3A_328, %sub3A_328 : vector<16xf32>
      %add3A_330 = arith.addf %add3A_319, %mul3A_329 : vector<16xf32>
      %get3A_331 = arith.index_cast %scan3A_56 : i32 to index
      %get3A_332 = arith.constant 400 : index
      %get3A_333 = tpu.vector_load %arg9[%get3A_331, %get3A_332] {strides = array<i32>} : memref<32x512xf32, #tpu.memory_space<vmem>>, vector<1x16xf32>,
      %get3A_334 = vector.shape_cast %get3A_333 : vector<1x16xf32> to vector<16xf32>
      %get3A_335 = arith.index_cast %scan3A_56 : i32 to index
      %get3A_336 = arith.constant 400 : index
      %get3A_337 = tpu.vector_load %arg7[%get3A_335, %get3A_336] {strides = array<i32>} : memref<32x512xf32, #tpu.memory_space<vmem>>, vector<1x16xf32>,
      %get3A_338 = vector.shape_cast %get3A_337 : vector<1x16xf32> to vector<16xf32>
      %sub3A_339 = arith.subf %get3A_334, %get3A_338 : vector<16xf32>
      %mul3A_340 = arith.mulf %sub3A_339, %sub3A_339 : vector<16xf32>
      %add3A_341 = arith.addf %add3A_330, %mul3A_340 : vector<16xf32>
      %get3A_342 = arith.index_cast %scan3A_56 : i32 to index
      %get3A_343 = arith.constant 416 : index
      %get3A_344 = tpu.vector_load %arg9[%get3A_342, %get3A_343] {strides = array<i32>} : memref<32x512xf32, #tpu.memory_space<vmem>>, vector<1x16xf32>,
      %get3A_345 = vector.shape_cast %get3A_344 : vector<1x16xf32> to vector<16xf32>
      %get3A_346 = arith.index_cast %scan3A_56 : i32 to index
      %get3A_347 = arith.constant 416 : index
      %get3A_348 = tpu.vector_load %arg7[%get3A_346, %get3A_347] {strides = array<i32>} : memref<32x512xf32, #tpu.memory_space<vmem>>, vector<1x16xf32>,
      %get3A_349 = vector.shape_cast %get3A_348 : vector<1x16xf32> to vector<16xf32>
      %sub3A_350 = arith.subf %get3A_345, %get3A_349 : vector<16xf32>
      %mul3A_351 = arith.mulf %sub3A_350, %sub3A_350 : vector<16xf32>
      %add3A_352 = arith.addf %add3A_341, %mul3A_351 : vector<16xf32>
      %get3A_353 = arith.index_cast %scan3A_56 : i32 to index
      %get3A_354 = arith.constant 432 : index
      %get3A_355 = tpu.vector_load %arg9[%get3A_353, %get3A_354] {strides = array<i32>} : memref<32x512xf32, #tpu.memory_space<vmem>>, vector<1x16xf32>,
      %get3A_356 = vector.shape_cast %get3A_355 : vector<1x16xf32> to vector<16xf32>
      %get3A_357 = arith.index_cast %scan3A_56 : i32 to index
      %get3A_358 = arith.constant 432 : index
      %get3A_359 = tpu.vector_load %arg7[%get3A_357, %get3A_358] {strides = array<i32>} : memref<32x512xf32, #tpu.memory_space<vmem>>, vector<1x16xf32>,
      %get3A_360 = vector.shape_cast %get3A_359 : vector<1x16xf32> to vector<16xf32>
      %sub3A_361 = arith.subf %get3A_356, %get3A_360 : vector<16xf32>
      %mul3A_362 = arith.mulf %sub3A_361, %sub3A_361 : vector<16xf32>
      %add3A_363 = arith.addf %add3A_352, %mul3A_362 : vector<16xf32>
      %get3A_364 = arith.index_cast %scan3A_56 : i32 to index
      %get3A_365 = arith.constant 448 : index
      %get3A_366 = tpu.vector_load %arg9[%get3A_364, %get3A_365] {strides = array<i32>} : memref<32x512xf32, #tpu.memory_space<vmem>>, vector<1x16xf32>,
      %get3A_367 = vector.shape_cast %get3A_366 : vector<1x16xf32> to vector<16xf32>
      %get3A_368 = arith.index_cast %scan3A_56 : i32 to index
      %get3A_369 = arith.constant 448 : index
      %get3A_370 = tpu.vector_load %arg7[%get3A_368, %get3A_369] {strides = array<i32>} : memref<32x512xf32, #tpu.memory_space<vmem>>, vector<1x16xf32>,
      %get3A_371 = vector.shape_cast %get3A_370 : vector<1x16xf32> to vector<16xf32>
      %sub3A_372 = arith.subf %get3A_367, %get3A_371 : vector<16xf32>
      %mul3A_373 = arith.mulf %sub3A_372, %sub3A_372 : vector<16xf32>
      %add3A_374 = arith.addf %add3A_363, %mul3A_373 : vector<16xf32>
      %get3A_375 = arith.index_cast %scan3A_56 : i32 to index
      %get3A_376 = arith.constant 464 : index
      %get3A_377 = tpu.vector_load %arg9[%get3A_375, %get3A_376] {strides = array<i32>} : memref<32x512xf32, #tpu.memory_space<vmem>>, vector<1x16xf32>,
      %get3A_378 = vector.shape_cast %get3A_377 : vector<1x16xf32> to vector<16xf32>
      %get3A_379 = arith.index_cast %scan3A_56 : i32 to index
      %get3A_380 = arith.constant 464 : index
      %get3A_381 = tpu.vector_load %arg7[%get3A_379, %get3A_380] {strides = array<i32>} : memref<32x512xf32, #tpu.memory_space<vmem>>, vector<1x16xf32>,
      %get3A_382 = vector.shape_cast %get3A_381 : vector<1x16xf32> to vector<16xf32>
      %sub3A_383 = arith.subf %get3A_378, %get3A_382 : vector<16xf32>
      %mul3A_384 = arith.mulf %sub3A_383, %sub3A_383 : vector<16xf32>
      %add3A_385 = arith.addf %add3A_374, %mul3A_384 : vector<16xf32>
      %get3A_386 = arith.index_cast %scan3A_56 : i32 to index
      %get3A_387 = arith.constant 480 : index
      %get3A_388 = tpu.vector_load %arg9[%get3A_386, %get3A_387] {strides = array<i32>} : memref<32x512xf32, #tpu.memory_space<vmem>>, vector<1x16xf32>,
      %get3A_389 = vector.shape_cast %get3A_388 : vector<1x16xf32> to vector<16xf32>
      %get3A_390 = arith.index_cast %scan3A_56 : i32 to index
      %get3A_391 = arith.constant 480 : index
      %get3A_392 = tpu.vector_load %arg7[%get3A_390, %get3A_391] {strides = array<i32>} : memref<32x512xf32, #tpu.memory_space<vmem>>, vector<1x16xf32>,
      %get3A_393 = vector.shape_cast %get3A_392 : vector<1x16xf32> to vector<16xf32>
      %sub3A_394 = arith.subf %get3A_389, %get3A_393 : vector<16xf32>
      %mul3A_395 = arith.mulf %sub3A_394, %sub3A_394 : vector<16xf32>
      %add3A_396 = arith.addf %add3A_385, %mul3A_395 : vector<16xf32>
      %get3A_397 = arith.index_cast %scan3A_56 : i32 to index
      %get3A_398 = arith.constant 496 : index
      %get3A_399 = tpu.vector_load %arg9[%get3A_397, %get3A_398] {strides = array<i32>} : memref<32x512xf32, #tpu.memory_space<vmem>>, vector<1x16xf32>,
      %get3A_400 = vector.shape_cast %get3A_399 : vector<1x16xf32> to vector<16xf32>
      %get3A_401 = arith.index_cast %scan3A_56 : i32 to index
      %get3A_402 = arith.constant 496 : index
      %get3A_403 = tpu.vector_load %arg7[%get3A_401, %get3A_402] {strides = array<i32>} : memref<32x512xf32, #tpu.memory_space<vmem>>, vector<1x16xf32>,
      %get3A_404 = vector.shape_cast %get3A_403 : vector<1x16xf32> to vector<16xf32>
      %sub3A_405 = arith.subf %get3A_400, %get3A_404 : vector<16xf32>
      %mul3A_406 = arith.mulf %sub3A_405, %sub3A_405 : vector<16xf32>
      %add3A_407 = arith.addf %add3A_396, %mul3A_406 : vector<16xf32>
      scf.yield %add3A_407 : vector<16xf32>
    }
    %scan3A_37 = arith.constant 32 : i32
    %dma_wait3A_38 = arith.constant 32 : i32
    %dma_wait3A_39 = tpu.memref_slice %arg6[%dma_wait3A_38] : memref<64xi32, #tpu.memory_space<vmem>> -> memref<32xi32, #tpu.memory_space<vmem>>
    %dma_wait3A_40 = arith.constant 0 : i32
    %dma_wait3A_41 = arith.constant 0 : i32
    %dma_wait3A_42 = tpu.memref_slice %arg4[%dma_wait3A_40, %dma_wait3A_41] : memref<1000x512xf32, #tpu.memory_space<hbm>> -> memref<1000x512xf32, #tpu.memory_space<hbm>>
    tpu.wait_indirect_dma semaphore(%arg13 : memref<!tpu.dma_semaphore, #tpu.memory_space<semaphore_mem>>) src(%dma_wait3A_42 : memref<1000x512xf32, #tpu.memory_space<hbm>>) dst(%arg8 : memref<32x512xf32, #tpu.memory_space<vmem>>)
    %dma_wait3A_43 = arith.constant 0 : i32
    %dma_wait3A_44 = tpu.memref_slice %arg2[%add3A_20, %dma_wait3A_43] : memref<4096x512xf32, #tpu.memory_space<hbm>> -> memref<32x512xf32, #tpu.memory_space<hbm>>
    %dma_wait3A_45 = arith.constant 0 : i32
    %dma_wait3A_46 = tpu.memref_slice %arg2[%add3A_20, %dma_wait3A_45] : memref<4096x512xf32, #tpu.memory_space<hbm>> -> memref<32x512xf32, #tpu.memory_space<hbm>>
    tpu.wait_dma2 semaphore(%arg15 : memref<!tpu.dma_semaphore, #tpu.memory_space<semaphore_mem>>) src(%dma_wait3A_46 : memref<32x512xf32, #tpu.memory_space<hbm>>) dst(%arg10 : memref<32x512xf32, #tpu.memory_space<vmem>>)
    %scan3A_47 = arith.constant 0 : i32
    %scan3A_48 = arith.constant 32 : i32
    %scan3A_49 = arith.addi %scan3A_47, %scan3A_48 : i32
    %scan3A_50 = arith.constant 1 : i32
    %scan3A_51 = scf.for %scan3A_56 = %scan3A_47 to %scan3A_49 step %scan3A_50 iter_args(%scan3A_57 = %scan3A_36) -> (vector<16xf32>)  : i32 {
      %get3A = arith.index_cast %scan3A_56 : i32 to index
      %get3A_58 = arith.constant 0 : index
      %get3A_59 = tpu.vector_load %arg10[%get3A, %get3A_58] {strides = array<i32>} : memref<32x512xf32, #tpu.memory_space<vmem>>, vector<1x16xf32>,
      %get3A_60 = vector.shape_cast %get3A_59 : vector<1x16xf32> to vector<16xf32>
      %get3A_61 = arith.index_cast %scan3A_56 : i32 to index
      %get3A_62 = arith.constant 0 : index
      %get3A_63 = tpu.vector_load %arg8[%get3A_61, %get3A_62] {strides = array<i32>} : memref<32x512xf32, #tpu.memory_space<vmem>>, vector<1x16xf32>,
      %get3A_64 = vector.shape_cast %get3A_63 : vector<1x16xf32> to vector<16xf32>
      %sub3A = arith.subf %get3A_60, %get3A_64 : vector<16xf32>
      %mul3A_65 = arith.mulf %sub3A, %sub3A : vector<16xf32>
      %add3A_66 = arith.addf %scan3A_57, %mul3A_65 : vector<16xf32>
      %get3A_67 = arith.index_cast %scan3A_56 : i32 to index
      %get3A_68 = arith.constant 16 : index
      %get3A_69 = tpu.vector_load %arg10[%get3A_67, %get3A_68] {strides = array<i32>} : memref<32x512xf32, #tpu.memory_space<vmem>>, vector<1x16xf32>,
      %get3A_70 = vector.shape_cast %get3A_69 : vector<1x16xf32> to vector<16xf32>
      %get3A_71 = arith.index_cast %scan3A_56 : i32 to index
      %get3A_72 = arith.constant 16 : index
      %get3A_73 = tpu.vector_load %arg8[%get3A_71, %get3A_72] {strides = array<i32>} : memref<32x512xf32, #tpu.memory_space<vmem>>, vector<1x16xf32>,
      %get3A_74 = vector.shape_cast %get3A_73 : vector<1x16xf32> to vector<16xf32>
      %sub3A_75 = arith.subf %get3A_70, %get3A_74 : vector<16xf32>
      %mul3A_76 = arith.mulf %sub3A_75, %sub3A_75 : vector<16xf32>
      %add3A_77 = arith.addf %add3A_66, %mul3A_76 : vector<16xf32>
      %get3A_78 = arith.index_cast %scan3A_56 : i32 to index
      %get3A_79 = arith.constant 32 : index
      %get3A_80 = tpu.vector_load %arg10[%get3A_78, %get3A_79] {strides = array<i32>} : memref<32x512xf32, #tpu.memory_space<vmem>>, vector<1x16xf32>,
      %get3A_81 = vector.shape_cast %get3A_80 : vector<1x16xf32> to vector<16xf32>
      %get3A_82 = arith.index_cast %scan3A_56 : i32 to index
      %get3A_83 = arith.constant 32 : index
      %get3A_84 = tpu.vector_load %arg8[%get3A_82, %get3A_83] {strides = array<i32>} : memref<32x512xf32, #tpu.memory_space<vmem>>, vector<1x16xf32>,
      %get3A_85 = vector.shape_cast %get3A_84 : vector<1x16xf32> to vector<16xf32>
      %sub3A_86 = arith.subf %get3A_81, %get3A_85 : vector<16xf32>
      %mul3A_87 = arith.mulf %sub3A_86, %sub3A_86 : vector<16xf32>
      %add3A_88 = arith.addf %add3A_77, %mul3A_87 : vector<16xf32>
      %get3A_89 = arith.index_cast %scan3A_56 : i32 to index
      %get3A_90 = arith.constant 48 : index
      %get3A_91 = tpu.vector_load %arg10[%get3A_89, %get3A_90] {strides = array<i32>} : memref<32x512xf32, #tpu.memory_space<vmem>>, vector<1x16xf32>,
      %get3A_92 = vector.shape_cast %get3A_91 : vector<1x16xf32> to vector<16xf32>
      %get3A_93 = arith.index_cast %scan3A_56 : i32 to index
      %get3A_94 = arith.constant 48 : index
      %get3A_95 = tpu.vector_load %arg8[%get3A_93, %get3A_94] {strides = array<i32>} : memref<32x512xf32, #tpu.memory_space<vmem>>, vector<1x16xf32>,
      %get3A_96 = vector.shape_cast %get3A_95 : vector<1x16xf32> to vector<16xf32>
      %sub3A_97 = arith.subf %get3A_92, %get3A_96 : vector<16xf32>
      %mul3A_98 = arith.mulf %sub3A_97, %sub3A_97 : vector<16xf32>
      %add3A_99 = arith.addf %add3A_88, %mul3A_98 : vector<16xf32>
      %get3A_100 = arith.index_cast %scan3A_56 : i32 to index
      %get3A_101 = arith.constant 64 : index
      %get3A_102 = tpu.vector_load %arg10[%get3A_100, %get3A_101] {strides = array<i32>} : memref<32x512xf32, #tpu.memory_space<vmem>>, vector<1x16xf32>,
      %get3A_103 = vector.shape_cast %get3A_102 : vector<1x16xf32> to vector<16xf32>
      %get3A_104 = arith.index_cast %scan3A_56 : i32 to index
      %get3A_105 = arith.constant 64 : index
      %get3A_106 = tpu.vector_load %arg8[%get3A_104, %get3A_105] {strides = array<i32>} : memref<32x512xf32, #tpu.memory_space<vmem>>, vector<1x16xf32>,
      %get3A_107 = vector.shape_cast %get3A_106 : vector<1x16xf32> to vector<16xf32>
      %sub3A_108 = arith.subf %get3A_103, %get3A_107 : vector<16xf32>
      %mul3A_109 = arith.mulf %sub3A_108, %sub3A_108 : vector<16xf32>
      %add3A_110 = arith.addf %add3A_99, %mul3A_109 : vector<16xf32>
      %get3A_111 = arith.index_cast %scan3A_56 : i32 to index
      %get3A_112 = arith.constant 80 : index
      %get3A_113 = tpu.vector_load %arg10[%get3A_111, %get3A_112] {strides = array<i32>} : memref<32x512xf32, #tpu.memory_space<vmem>>, vector<1x16xf32>,
      %get3A_114 = vector.shape_cast %get3A_113 : vector<1x16xf32> to vector<16xf32>
      %get3A_115 = arith.index_cast %scan3A_56 : i32 to index
      %get3A_116 = arith.constant 80 : index
      %get3A_117 = tpu.vector_load %arg8[%get3A_115, %get3A_116] {strides = array<i32>} : memref<32x512xf32, #tpu.memory_space<vmem>>, vector<1x16xf32>,
      %get3A_118 = vector.shape_cast %get3A_117 : vector<1x16xf32> to vector<16xf32>
      %sub3A_119 = arith.subf %get3A_114, %get3A_118 : vector<16xf32>
      %mul3A_120 = arith.mulf %sub3A_119, %sub3A_119 : vector<16xf32>
      %add3A_121 = arith.addf %add3A_110, %mul3A_120 : vector<16xf32>
      %get3A_122 = arith.index_cast %scan3A_56 : i32 to index
      %get3A_123 = arith.constant 96 : index
      %get3A_124 = tpu.vector_load %arg10[%get3A_122, %get3A_123] {strides = array<i32>} : memref<32x512xf32, #tpu.memory_space<vmem>>, vector<1x16xf32>,
      %get3A_125 = vector.shape_cast %get3A_124 : vector<1x16xf32> to vector<16xf32>
      %get3A_126 = arith.index_cast %scan3A_56 : i32 to index
      %get3A_127 = arith.constant 96 : index
      %get3A_128 = tpu.vector_load %arg8[%get3A_126, %get3A_127] {strides = array<i32>} : memref<32x512xf32, #tpu.memory_space<vmem>>, vector<1x16xf32>,
      %get3A_129 = vector.shape_cast %get3A_128 : vector<1x16xf32> to vector<16xf32>
      %sub3A_130 = arith.subf %get3A_125, %get3A_129 : vector<16xf32>
      %mul3A_131 = arith.mulf %sub3A_130, %sub3A_130 : vector<16xf32>
      %add3A_132 = arith.addf %add3A_121, %mul3A_131 : vector<16xf32>
      %get3A_133 = arith.index_cast %scan3A_56 : i32 to index
      %get3A_134 = arith.constant 112 : index
      %get3A_135 = tpu.vector_load %arg10[%get3A_133, %get3A_134] {strides = array<i32>} : memref<32x512xf32, #tpu.memory_space<vmem>>, vector<1x16xf32>,
      %get3A_136 = vector.shape_cast %get3A_135 : vector<1x16xf32> to vector<16xf32>
      %get3A_137 = arith.index_cast %scan3A_56 : i32 to index
      %get3A_138 = arith.constant 112 : index
      %get3A_139 = tpu.vector_load %arg8[%get3A_137, %get3A_138] {strides = array<i32>} : memref<32x512xf32, #tpu.memory_space<vmem>>, vector<1x16xf32>,
      %get3A_140 = vector.shape_cast %get3A_139 : vector<1x16xf32> to vector<16xf32>
      %sub3A_141 = arith.subf %get3A_136, %get3A_140 : vector<16xf32>
      %mul3A_142 = arith.mulf %sub3A_141, %sub3A_141 : vector<16xf32>
      %add3A_143 = arith.addf %add3A_132, %mul3A_142 : vector<16xf32>
      %get3A_144 = arith.index_cast %scan3A_56 : i32 to index
      %get3A_145 = arith.constant 128 : index
      %get3A_146 = tpu.vector_load %arg10[%get3A_144, %get3A_145] {strides = array<i32>} : memref<32x512xf32, #tpu.memory_space<vmem>>, vector<1x16xf32>,
      %get3A_147 = vector.shape_cast %get3A_146 : vector<1x16xf32> to vector<16xf32>
      %get3A_148 = arith.index_cast %scan3A_56 : i32 to index
      %get3A_149 = arith.constant 128 : index
      %get3A_150 = tpu.vector_load %arg8[%get3A_148, %get3A_149] {strides = array<i32>} : memref<32x512xf32, #tpu.memory_space<vmem>>, vector<1x16xf32>,
      %get3A_151 = vector.shape_cast %get3A_150 : vector<1x16xf32> to vector<16xf32>
      %sub3A_152 = arith.subf %get3A_147, %get3A_151 : vector<16xf32>
      %mul3A_153 = arith.mulf %sub3A_152, %sub3A_152 : vector<16xf32>
      %add3A_154 = arith.addf %add3A_143, %mul3A_153 : vector<16xf32>
      %get3A_155 = arith.index_cast %scan3A_56 : i32 to index
      %get3A_156 = arith.constant 144 : index
      %get3A_157 = tpu.vector_load %arg10[%get3A_155, %get3A_156] {strides = array<i32>} : memref<32x512xf32, #tpu.memory_space<vmem>>, vector<1x16xf32>,
      %get3A_158 = vector.shape_cast %get3A_157 : vector<1x16xf32> to vector<16xf32>
      %get3A_159 = arith.index_cast %scan3A_56 : i32 to index
      %get3A_160 = arith.constant 144 : index
      %get3A_161 = tpu.vector_load %arg8[%get3A_159, %get3A_160] {strides = array<i32>} : memref<32x512xf32, #tpu.memory_space<vmem>>, vector<1x16xf32>,
      %get3A_162 = vector.shape_cast %get3A_161 : vector<1x16xf32> to vector<16xf32>
      %sub3A_163 = arith.subf %get3A_158, %get3A_162 : vector<16xf32>
      %mul3A_164 = arith.mulf %sub3A_163, %sub3A_163 : vector<16xf32>
      %add3A_165 = arith.addf %add3A_154, %mul3A_164 : vector<16xf32>
      %get3A_166 = arith.index_cast %scan3A_56 : i32 to index
      %get3A_167 = arith.constant 160 : index
      %get3A_168 = tpu.vector_load %arg10[%get3A_166, %get3A_167] {strides = array<i32>} : memref<32x512xf32, #tpu.memory_space<vmem>>, vector<1x16xf32>,
      %get3A_169 = vector.shape_cast %get3A_168 : vector<1x16xf32> to vector<16xf32>
      %get3A_170 = arith.index_cast %scan3A_56 : i32 to index
      %get3A_171 = arith.constant 160 : index
      %get3A_172 = tpu.vector_load %arg8[%get3A_170, %get3A_171] {strides = array<i32>} : memref<32x512xf32, #tpu.memory_space<vmem>>, vector<1x16xf32>,
      %get3A_173 = vector.shape_cast %get3A_172 : vector<1x16xf32> to vector<16xf32>
      %sub3A_174 = arith.subf %get3A_169, %get3A_173 : vector<16xf32>
      %mul3A_175 = arith.mulf %sub3A_174, %sub3A_174 : vector<16xf32>
      %add3A_176 = arith.addf %add3A_165, %mul3A_175 : vector<16xf32>
      %get3A_177 = arith.index_cast %scan3A_56 : i32 to index
      %get3A_178 = arith.constant 176 : index
      %get3A_179 = tpu.vector_load %arg10[%get3A_177, %get3A_178] {strides = array<i32>} : memref<32x512xf32, #tpu.memory_space<vmem>>, vector<1x16xf32>,
      %get3A_180 = vector.shape_cast %get3A_179 : vector<1x16xf32> to vector<16xf32>
      %get3A_181 = arith.index_cast %scan3A_56 : i32 to index
      %get3A_182 = arith.constant 176 : index
      %get3A_183 = tpu.vector_load %arg8[%get3A_181, %get3A_182] {strides = array<i32>} : memref<32x512xf32, #tpu.memory_space<vmem>>, vector<1x16xf32>,
      %get3A_184 = vector.shape_cast %get3A_183 : vector<1x16xf32> to vector<16xf32>
      %sub3A_185 = arith.subf %get3A_180, %get3A_184 : vector<16xf32>
      %mul3A_186 = arith.mulf %sub3A_185, %sub3A_185 : vector<16xf32>
      %add3A_187 = arith.addf %add3A_176, %mul3A_186 : vector<16xf32>
      %get3A_188 = arith.index_cast %scan3A_56 : i32 to index
      %get3A_189 = arith.constant 192 : index
      %get3A_190 = tpu.vector_load %arg10[%get3A_188, %get3A_189] {strides = array<i32>} : memref<32x512xf32, #tpu.memory_space<vmem>>, vector<1x16xf32>,
      %get3A_191 = vector.shape_cast %get3A_190 : vector<1x16xf32> to vector<16xf32>
      %get3A_192 = arith.index_cast %scan3A_56 : i32 to index
      %get3A_193 = arith.constant 192 : index
      %get3A_194 = tpu.vector_load %arg8[%get3A_192, %get3A_193] {strides = array<i32>} : memref<32x512xf32, #tpu.memory_space<vmem>>, vector<1x16xf32>,
      %get3A_195 = vector.shape_cast %get3A_194 : vector<1x16xf32> to vector<16xf32>
      %sub3A_196 = arith.subf %get3A_191, %get3A_195 : vector<16xf32>
      %mul3A_197 = arith.mulf %sub3A_196, %sub3A_196 : vector<16xf32>
      %add3A_198 = arith.addf %add3A_187, %mul3A_197 : vector<16xf32>
      %get3A_199 = arith.index_cast %scan3A_56 : i32 to index
      %get3A_200 = arith.constant 208 : index
      %get3A_201 = tpu.vector_load %arg10[%get3A_199, %get3A_200] {strides = array<i32>} : memref<32x512xf32, #tpu.memory_space<vmem>>, vector<1x16xf32>,
      %get3A_202 = vector.shape_cast %get3A_201 : vector<1x16xf32> to vector<16xf32>
      %get3A_203 = arith.index_cast %scan3A_56 : i32 to index
      %get3A_204 = arith.constant 208 : index
      %get3A_205 = tpu.vector_load %arg8[%get3A_203, %get3A_204] {strides = array<i32>} : memref<32x512xf32, #tpu.memory_space<vmem>>, vector<1x16xf32>,
      %get3A_206 = vector.shape_cast %get3A_205 : vector<1x16xf32> to vector<16xf32>
      %sub3A_207 = arith.subf %get3A_202, %get3A_206 : vector<16xf32>
      %mul3A_208 = arith.mulf %sub3A_207, %sub3A_207 : vector<16xf32>
      %add3A_209 = arith.addf %add3A_198, %mul3A_208 : vector<16xf32>
      %get3A_210 = arith.index_cast %scan3A_56 : i32 to index
      %get3A_211 = arith.constant 224 : index
      %get3A_212 = tpu.vector_load %arg10[%get3A_210, %get3A_211] {strides = array<i32>} : memref<32x512xf32, #tpu.memory_space<vmem>>, vector<1x16xf32>,
      %get3A_213 = vector.shape_cast %get3A_212 : vector<1x16xf32> to vector<16xf32>
      %get3A_214 = arith.index_cast %scan3A_56 : i32 to index
      %get3A_215 = arith.constant 224 : index
      %get3A_216 = tpu.vector_load %arg8[%get3A_214, %get3A_215] {strides = array<i32>} : memref<32x512xf32, #tpu.memory_space<vmem>>, vector<1x16xf32>,
      %get3A_217 = vector.shape_cast %get3A_216 : vector<1x16xf32> to vector<16xf32>
      %sub3A_218 = arith.subf %get3A_213, %get3A_217 : vector<16xf32>
      %mul3A_219 = arith.mulf %sub3A_218, %sub3A_218 : vector<16xf32>
      %add3A_220 = arith.addf %add3A_209, %mul3A_219 : vector<16xf32>
      %get3A_221 = arith.index_cast %scan3A_56 : i32 to index
      %get3A_222 = arith.constant 240 : index
      %get3A_223 = tpu.vector_load %arg10[%get3A_221, %get3A_222] {strides = array<i32>} : memref<32x512xf32, #tpu.memory_space<vmem>>, vector<1x16xf32>,
      %get3A_224 = vector.shape_cast %get3A_223 : vector<1x16xf32> to vector<16xf32>
      %get3A_225 = arith.index_cast %scan3A_56 : i32 to index
      %get3A_226 = arith.constant 240 : index
      %get3A_227 = tpu.vector_load %arg8[%get3A_225, %get3A_226] {strides = array<i32>} : memref<32x512xf32, #tpu.memory_space<vmem>>, vector<1x16xf32>,
      %get3A_228 = vector.shape_cast %get3A_227 : vector<1x16xf32> to vector<16xf32>
      %sub3A_229 = arith.subf %get3A_224, %get3A_228 : vector<16xf32>
      %mul3A_230 = arith.mulf %sub3A_229, %sub3A_229 : vector<16xf32>
      %add3A_231 = arith.addf %add3A_220, %mul3A_230 : vector<16xf32>
      %get3A_232 = arith.index_cast %scan3A_56 : i32 to index
      %get3A_233 = arith.constant 256 : index
      %get3A_234 = tpu.vector_load %arg10[%get3A_232, %get3A_233] {strides = array<i32>} : memref<32x512xf32, #tpu.memory_space<vmem>>, vector<1x16xf32>,
      %get3A_235 = vector.shape_cast %get3A_234 : vector<1x16xf32> to vector<16xf32>
      %get3A_236 = arith.index_cast %scan3A_56 : i32 to index
      %get3A_237 = arith.constant 256 : index
      %get3A_238 = tpu.vector_load %arg8[%get3A_236, %get3A_237] {strides = array<i32>} : memref<32x512xf32, #tpu.memory_space<vmem>>, vector<1x16xf32>,
      %get3A_239 = vector.shape_cast %get3A_238 : vector<1x16xf32> to vector<16xf32>
      %sub3A_240 = arith.subf %get3A_235, %get3A_239 : vector<16xf32>
      %mul3A_241 = arith.mulf %sub3A_240, %sub3A_240 : vector<16xf32>
      %add3A_242 = arith.addf %add3A_231, %mul3A_241 : vector<16xf32>
      %get3A_243 = arith.index_cast %scan3A_56 : i32 to index
      %get3A_244 = arith.constant 272 : index
      %get3A_245 = tpu.vector_load %arg10[%get3A_243, %get3A_244] {strides = array<i32>} : memref<32x512xf32, #tpu.memory_space<vmem>>, vector<1x16xf32>,
      %get3A_246 = vector.shape_cast %get3A_245 : vector<1x16xf32> to vector<16xf32>
      %get3A_247 = arith.index_cast %scan3A_56 : i32 to index
      %get3A_248 = arith.constant 272 : index
      %get3A_249 = tpu.vector_load %arg8[%get3A_247, %get3A_248] {strides = array<i32>} : memref<32x512xf32, #tpu.memory_space<vmem>>, vector<1x16xf32>,
      %get3A_250 = vector.shape_cast %get3A_249 : vector<1x16xf32> to vector<16xf32>
      %sub3A_251 = arith.subf %get3A_246, %get3A_250 : vector<16xf32>
      %mul3A_252 = arith.mulf %sub3A_251, %sub3A_251 : vector<16xf32>
      %add3A_253 = arith.addf %add3A_242, %mul3A_252 : vector<16xf32>
      %get3A_254 = arith.index_cast %scan3A_56 : i32 to index
      %get3A_255 = arith.constant 288 : index
      %get3A_256 = tpu.vector_load %arg10[%get3A_254, %get3A_255] {strides = array<i32>} : memref<32x512xf32, #tpu.memory_space<vmem>>, vector<1x16xf32>,
      %get3A_257 = vector.shape_cast %get3A_256 : vector<1x16xf32> to vector<16xf32>
      %get3A_258 = arith.index_cast %scan3A_56 : i32 to index
      %get3A_259 = arith.constant 288 : index
      %get3A_260 = tpu.vector_load %arg8[%get3A_258, %get3A_259] {strides = array<i32>} : memref<32x512xf32, #tpu.memory_space<vmem>>, vector<1x16xf32>,
      %get3A_261 = vector.shape_cast %get3A_260 : vector<1x16xf32> to vector<16xf32>
      %sub3A_262 = arith.subf %get3A_257, %get3A_261 : vector<16xf32>
      %mul3A_263 = arith.mulf %sub3A_262, %sub3A_262 : vector<16xf32>
      %add3A_264 = arith.addf %add3A_253, %mul3A_263 : vector<16xf32>
      %get3A_265 = arith.index_cast %scan3A_56 : i32 to index
      %get3A_266 = arith.constant 304 : index
      %get3A_267 = tpu.vector_load %arg10[%get3A_265, %get3A_266] {strides = array<i32>} : memref<32x512xf32, #tpu.memory_space<vmem>>, vector<1x16xf32>,
      %get3A_268 = vector.shape_cast %get3A_267 : vector<1x16xf32> to vector<16xf32>
      %get3A_269 = arith.index_cast %scan3A_56 : i32 to index
      %get3A_270 = arith.constant 304 : index
      %get3A_271 = tpu.vector_load %arg8[%get3A_269, %get3A_270] {strides = array<i32>} : memref<32x512xf32, #tpu.memory_space<vmem>>, vector<1x16xf32>,
      %get3A_272 = vector.shape_cast %get3A_271 : vector<1x16xf32> to vector<16xf32>
      %sub3A_273 = arith.subf %get3A_268, %get3A_272 : vector<16xf32>
      %mul3A_274 = arith.mulf %sub3A_273, %sub3A_273 : vector<16xf32>
      %add3A_275 = arith.addf %add3A_264, %mul3A_274 : vector<16xf32>
      %get3A_276 = arith.index_cast %scan3A_56 : i32 to index
      %get3A_277 = arith.constant 320 : index
      %get3A_278 = tpu.vector_load %arg10[%get3A_276, %get3A_277] {strides = array<i32>} : memref<32x512xf32, #tpu.memory_space<vmem>>, vector<1x16xf32>,
      %get3A_279 = vector.shape_cast %get3A_278 : vector<1x16xf32> to vector<16xf32>
      %get3A_280 = arith.index_cast %scan3A_56 : i32 to index
      %get3A_281 = arith.constant 320 : index
      %get3A_282 = tpu.vector_load %arg8[%get3A_280, %get3A_281] {strides = array<i32>} : memref<32x512xf32, #tpu.memory_space<vmem>>, vector<1x16xf32>,
      %get3A_283 = vector.shape_cast %get3A_282 : vector<1x16xf32> to vector<16xf32>
      %sub3A_284 = arith.subf %get3A_279, %get3A_283 : vector<16xf32>
      %mul3A_285 = arith.mulf %sub3A_284, %sub3A_284 : vector<16xf32>
      %add3A_286 = arith.addf %add3A_275, %mul3A_285 : vector<16xf32>
      %get3A_287 = arith.index_cast %scan3A_56 : i32 to index
      %get3A_288 = arith.constant 336 : index
      %get3A_289 = tpu.vector_load %arg10[%get3A_287, %get3A_288] {strides = array<i32>} : memref<32x512xf32, #tpu.memory_space<vmem>>, vector<1x16xf32>,
      %get3A_290 = vector.shape_cast %get3A_289 : vector<1x16xf32> to vector<16xf32>
      %get3A_291 = arith.index_cast %scan3A_56 : i32 to index
      %get3A_292 = arith.constant 336 : index
      %get3A_293 = tpu.vector_load %arg8[%get3A_291, %get3A_292] {strides = array<i32>} : memref<32x512xf32, #tpu.memory_space<vmem>>, vector<1x16xf32>,
      %get3A_294 = vector.shape_cast %get3A_293 : vector<1x16xf32> to vector<16xf32>
      %sub3A_295 = arith.subf %get3A_290, %get3A_294 : vector<16xf32>
      %mul3A_296 = arith.mulf %sub3A_295, %sub3A_295 : vector<16xf32>
      %add3A_297 = arith.addf %add3A_286, %mul3A_296 : vector<16xf32>
      %get3A_298 = arith.index_cast %scan3A_56 : i32 to index
      %get3A_299 = arith.constant 352 : index
      %get3A_300 = tpu.vector_load %arg10[%get3A_298, %get3A_299] {strides = array<i32>} : memref<32x512xf32, #tpu.memory_space<vmem>>, vector<1x16xf32>,
      %get3A_301 = vector.shape_cast %get3A_300 : vector<1x16xf32> to vector<16xf32>
      %get3A_302 = arith.index_cast %scan3A_56 : i32 to index
      %get3A_303 = arith.constant 352 : index
      %get3A_304 = tpu.vector_load %arg8[%get3A_302, %get3A_303] {strides = array<i32>} : memref<32x512xf32, #tpu.memory_space<vmem>>, vector<1x16xf32>,
      %get3A_305 = vector.shape_cast %get3A_304 : vector<1x16xf32> to vector<16xf32>
      %sub3A_306 = arith.subf %get3A_301, %get3A_305 : vector<16xf32>
      %mul3A_307 = arith.mulf %sub3A_306, %sub3A_306 : vector<16xf32>
      %add3A_308 = arith.addf %add3A_297, %mul3A_307 : vector<16xf32>
      %get3A_309 = arith.index_cast %scan3A_56 : i32 to index
      %get3A_310 = arith.constant 368 : index
      %get3A_311 = tpu.vector_load %arg10[%get3A_309, %get3A_310] {strides = array<i32>} : memref<32x512xf32, #tpu.memory_space<vmem>>, vector<1x16xf32>,
      %get3A_312 = vector.shape_cast %get3A_311 : vector<1x16xf32> to vector<16xf32>
      %get3A_313 = arith.index_cast %scan3A_56 : i32 to index
      %get3A_314 = arith.constant 368 : index
      %get3A_315 = tpu.vector_load %arg8[%get3A_313, %get3A_314] {strides = array<i32>} : memref<32x512xf32, #tpu.memory_space<vmem>>, vector<1x16xf32>,
      %get3A_316 = vector.shape_cast %get3A_315 : vector<1x16xf32> to vector<16xf32>
      %sub3A_317 = arith.subf %get3A_312, %get3A_316 : vector<16xf32>
      %mul3A_318 = arith.mulf %sub3A_317, %sub3A_317 : vector<16xf32>
      %add3A_319 = arith.addf %add3A_308, %mul3A_318 : vector<16xf32>
      %get3A_320 = arith.index_cast %scan3A_56 : i32 to index
      %get3A_321 = arith.constant 384 : index
      %get3A_322 = tpu.vector_load %arg10[%get3A_320, %get3A_321] {strides = array<i32>} : memref<32x512xf32, #tpu.memory_space<vmem>>, vector<1x16xf32>,
      %get3A_323 = vector.shape_cast %get3A_322 : vector<1x16xf32> to vector<16xf32>
      %get3A_324 = arith.index_cast %scan3A_56 : i32 to index
      %get3A_325 = arith.constant 384 : index
      %get3A_326 = tpu.vector_load %arg8[%get3A_324, %get3A_325] {strides = array<i32>} : memref<32x512xf32, #tpu.memory_space<vmem>>, vector<1x16xf32>,
      %get3A_327 = vector.shape_cast %get3A_326 : vector<1x16xf32> to vector<16xf32>
      %sub3A_328 = arith.subf %get3A_323, %get3A_327 : vector<16xf32>
      %mul3A_329 = arith.mulf %sub3A_328, %sub3A_328 : vector<16xf32>
      %add3A_330 = arith.addf %add3A_319, %mul3A_329 : vector<16xf32>
      %get3A_331 = arith.index_cast %scan3A_56 : i32 to index
      %get3A_332 = arith.constant 400 : index
      %get3A_333 = tpu.vector_load %arg10[%get3A_331, %get3A_332] {strides = array<i32>} : memref<32x512xf32, #tpu.memory_space<vmem>>, vector<1x16xf32>,
      %get3A_334 = vector.shape_cast %get3A_333 : vector<1x16xf32> to vector<16xf32>
      %get3A_335 = arith.index_cast %scan3A_56 : i32 to index
      %get3A_336 = arith.constant 400 : index
      %get3A_337 = tpu.vector_load %arg8[%get3A_335, %get3A_336] {strides = array<i32>} : memref<32x512xf32, #tpu.memory_space<vmem>>, vector<1x16xf32>,
      %get3A_338 = vector.shape_cast %get3A_337 : vector<1x16xf32> to vector<16xf32>
      %sub3A_339 = arith.subf %get3A_334, %get3A_338 : vector<16xf32>
      %mul3A_340 = arith.mulf %sub3A_339, %sub3A_339 : vector<16xf32>
      %add3A_341 = arith.addf %add3A_330, %mul3A_340 : vector<16xf32>
      %get3A_342 = arith.index_cast %scan3A_56 : i32 to index
      %get3A_343 = arith.constant 416 : index
      %get3A_344 = tpu.vector_load %arg10[%get3A_342, %get3A_343] {strides = array<i32>} : memref<32x512xf32, #tpu.memory_space<vmem>>, vector<1x16xf32>,
      %get3A_345 = vector.shape_cast %get3A_344 : vector<1x16xf32> to vector<16xf32>
      %get3A_346 = arith.index_cast %scan3A_56 : i32 to index
      %get3A_347 = arith.constant 416 : index
      %get3A_348 = tpu.vector_load %arg8[%get3A_346, %get3A_347] {strides = array<i32>} : memref<32x512xf32, #tpu.memory_space<vmem>>, vector<1x16xf32>,
      %get3A_349 = vector.shape_cast %get3A_348 : vector<1x16xf32> to vector<16xf32>
      %sub3A_350 = arith.subf %get3A_345, %get3A_349 : vector<16xf32>
      %mul3A_351 = arith.mulf %sub3A_350, %sub3A_350 : vector<16xf32>
      %add3A_352 = arith.addf %add3A_341, %mul3A_351 : vector<16xf32>
      %get3A_353 = arith.index_cast %scan3A_56 : i32 to index
      %get3A_354 = arith.constant 432 : index
      %get3A_355 = tpu.vector_load %arg10[%get3A_353, %get3A_354] {strides = array<i32>} : memref<32x512xf32, #tpu.memory_space<vmem>>, vector<1x16xf32>,
      %get3A_356 = vector.shape_cast %get3A_355 : vector<1x16xf32> to vector<16xf32>
      %get3A_357 = arith.index_cast %scan3A_56 : i32 to index
      %get3A_358 = arith.constant 432 : index
      %get3A_359 = tpu.vector_load %arg8[%get3A_357, %get3A_358] {strides = array<i32>} : memref<32x512xf32, #tpu.memory_space<vmem>>, vector<1x16xf32>,
      %get3A_360 = vector.shape_cast %get3A_359 : vector<1x16xf32> to vector<16xf32>
      %sub3A_361 = arith.subf %get3A_356, %get3A_360 : vector<16xf32>
      %mul3A_362 = arith.mulf %sub3A_361, %sub3A_361 : vector<16xf32>
      %add3A_363 = arith.addf %add3A_352, %mul3A_362 : vector<16xf32>
      %get3A_364 = arith.index_cast %scan3A_56 : i32 to index
      %get3A_365 = arith.constant 448 : index
      %get3A_366 = tpu.vector_load %arg10[%get3A_364, %get3A_365] {strides = array<i32>} : memref<32x512xf32, #tpu.memory_space<vmem>>, vector<1x16xf32>,
      %get3A_367 = vector.shape_cast %get3A_366 : vector<1x16xf32> to vector<16xf32>
      %get3A_368 = arith.index_cast %scan3A_56 : i32 to index
      %get3A_369 = arith.constant 448 : index
      %get3A_370 = tpu.vector_load %arg8[%get3A_368, %get3A_369] {strides = array<i32>} : memref<32x512xf32, #tpu.memory_space<vmem>>, vector<1x16xf32>,
      %get3A_371 = vector.shape_cast %get3A_370 : vector<1x16xf32> to vector<16xf32>
      %sub3A_372 = arith.subf %get3A_367, %get3A_371 : vector<16xf32>
      %mul3A_373 = arith.mulf %sub3A_372, %sub3A_372 : vector<16xf32>
      %add3A_374 = arith.addf %add3A_363, %mul3A_373 : vector<16xf32>
      %get3A_375 = arith.index_cast %scan3A_56 : i32 to index
      %get3A_376 = arith.constant 464 : index
      %get3A_377 = tpu.vector_load %arg10[%get3A_375, %get3A_376] {strides = array<i32>} : memref<32x512xf32, #tpu.memory_space<vmem>>, vector<1x16xf32>,
      %get3A_378 = vector.shape_cast %get3A_377 : vector<1x16xf32> to vector<16xf32>
      %get3A_379 = arith.index_cast %scan3A_56 : i32 to index
      %get3A_380 = arith.constant 464 : index
      %get3A_381 = tpu.vector_load %arg8[%get3A_379, %get3A_380] {strides = array<i32>} : memref<32x512xf32, #tpu.memory_space<vmem>>, vector<1x16xf32>,
      %get3A_382 = vector.shape_cast %get3A_381 : vector<1x16xf32> to vector<16xf32>
      %sub3A_383 = arith.subf %get3A_378, %get3A_382 : vector<16xf32>
      %mul3A_384 = arith.mulf %sub3A_383, %sub3A_383 : vector<16xf32>
      %add3A_385 = arith.addf %add3A_374, %mul3A_384 : vector<16xf32>
      %get3A_386 = arith.index_cast %scan3A_56 : i32 to index
      %get3A_387 = arith.constant 480 : index
      %get3A_388 = tpu.vector_load %arg10[%get3A_386, %get3A_387] {strides = array<i32>} : memref<32x512xf32, #tpu.memory_space<vmem>>, vector<1x16xf32>,
      %get3A_389 = vector.shape_cast %get3A_388 : vector<1x16xf32> to vector<16xf32>
      %get3A_390 = arith.index_cast %scan3A_56 : i32 to index
      %get3A_391 = arith.constant 480 : index
      %get3A_392 = tpu.vector_load %arg8[%get3A_390, %get3A_391] {strides = array<i32>} : memref<32x512xf32, #tpu.memory_space<vmem>>, vector<1x16xf32>,
      %get3A_393 = vector.shape_cast %get3A_392 : vector<1x16xf32> to vector<16xf32>
      %sub3A_394 = arith.subf %get3A_389, %get3A_393 : vector<16xf32>
      %mul3A_395 = arith.mulf %sub3A_394, %sub3A_394 : vector<16xf32>
      %add3A_396 = arith.addf %add3A_385, %mul3A_395 : vector<16xf32>
      %get3A_397 = arith.index_cast %scan3A_56 : i32 to index
      %get3A_398 = arith.constant 496 : index
      %get3A_399 = tpu.vector_load %arg10[%get3A_397, %get3A_398] {strides = array<i32>} : memref<32x512xf32, #tpu.memory_space<vmem>>, vector<1x16xf32>,
      %get3A_400 = vector.shape_cast %get3A_399 : vector<1x16xf32> to vector<16xf32>
      %get3A_401 = arith.index_cast %scan3A_56 : i32 to index
      %get3A_402 = arith.constant 496 : index
      %get3A_403 = tpu.vector_load %arg8[%get3A_401, %get3A_402] {strides = array<i32>} : memref<32x512xf32, #tpu.memory_space<vmem>>, vector<1x16xf32>,
      %get3A_404 = vector.shape_cast %get3A_403 : vector<1x16xf32> to vector<16xf32>
      %sub3A_405 = arith.subf %get3A_400, %get3A_404 : vector<16xf32>
      %mul3A_406 = arith.mulf %sub3A_405, %sub3A_405 : vector<16xf32>
      %add3A_407 = arith.addf %add3A_396, %mul3A_406 : vector<16xf32>
      scf.yield %add3A_407 : vector<16xf32>
    }
    %scan3A_52 = arith.constant 32 : i32
    %swap3A = arith.constant 0 : index
    %swap3A_53 = tpu.vector_load %arg11[%swap3A] {strides = array<i32>} : memref<16xf32, #tpu.memory_space<vmem>>, vector<16xf32>,
    %swap3A_54 = vector.shape_cast %swap3A_53 : vector<16xf32> to vector<16xf32>
    %swap3A_55 = vector.shape_cast %scan3A_51 : vector<16xf32> to vector<16xf32>
    tpu.vector_store %arg11[%swap3A], %swap3A_55 {strides = array<i32>} : memref<16xf32, #tpu.memory_space<vmem>>, vector<16xf32>,
    "tpu.region"() ({
      %run_scoped3A = tpu.sem_alloc : memref<!tpu.dma_semaphore, #tpu.memory_space<semaphore_mem>>
      %dma_start3A_56 = arith.constant 0 : i32
      %dma_start3A_57 = tpu.memref_slice %arg5[%add3A, %dma_start3A_56] : memref<32x16xf32, #tpu.memory_space<hbm>> -> memref<1x16xf32, #tpu.memory_space<hbm>>
      %dma_start3A_58 = tpu.memref_squeeze %dma_start3A_57 : memref<1x16xf32, #tpu.memory_space<hbm>> -> memref<16xf32, #tpu.memory_space<hbm>>
      %dma_start3A_59 = arith.constant 0 : i32
      %dma_start3A_60 = tpu.memref_slice %arg5[%add3A, %dma_start3A_59] : memref<32x16xf32, #tpu.memory_space<hbm>> -> memref<1x16xf32, #tpu.memory_space<hbm>>
      %dma_start3A_61 = tpu.memref_squeeze %dma_start3A_60 : memref<1x16xf32, #tpu.memory_space<hbm>> -> memref<16xf32, #tpu.memory_space<hbm>>
      tpu.enqueue_dma source(%arg11 : memref<16xf32, #tpu.memory_space<vmem>>) target(%dma_start3A_61 : memref<16xf32, #tpu.memory_space<hbm>>) target_semaphore(%run_scoped3A : memref<!tpu.dma_semaphore, #tpu.memory_space<semaphore_mem>>)
      %dma_wait3A_62 = arith.constant 0 : i32
      %dma_wait3A_63 = tpu.memref_slice %arg5[%add3A, %dma_wait3A_62] : memref<32x16xf32, #tpu.memory_space<hbm>> -> memref<1x16xf32, #tpu.memory_space<hbm>>
      %dma_wait3A_64 = tpu.memref_squeeze %dma_wait3A_63 : memref<1x16xf32, #tpu.memory_space<hbm>> -> memref<16xf32, #tpu.memory_space<hbm>>
      %dma_wait3A_65 = arith.constant 0 : i32
      %dma_wait3A_66 = tpu.memref_slice %arg5[%add3A, %dma_wait3A_65] : memref<32x16xf32, #tpu.memory_space<hbm>> -> memref<1x16xf32, #tpu.memory_space<hbm>>
      %dma_wait3A_67 = tpu.memref_squeeze %dma_wait3A_66 : memref<1x16xf32, #tpu.memory_space<hbm>> -> memref<16xf32, #tpu.memory_space<hbm>>
      tpu.wait_dma2 semaphore(%run_scoped3A : memref<!tpu.dma_semaphore, #tpu.memory_space<semaphore_mem>>) src(%arg11 : memref<16xf32, #tpu.memory_space<vmem>>) dst(%dma_wait3A_67 : memref<16xf32, #tpu.memory_space<hbm>>)
      tpu.yield
    }) : () -> ()
    return
  }
}

module attributes {stable_mosaic.version = 14 : i64} {
  func.func @body(%arg0: memref<32x16xf32, #tpu.memory_space<vmem>>, %arg1: memref<1x16xf32, #tpu.memory_space<vmem>>, %arg2: memref<1x1xf32, #tpu.memory_space<smem>>) attributes {dimension_semantics = [], scalar_prefetch = 0 : i64, scratch_operands = 0 : i64, tpu.core_type = #tpu.core_type<tc>} {
    %get3A = arith.constant 0 : index
    %get3A_0 = arith.constant 0 : index
    %get3A_1 = vector.load %arg0[%get3A, %get3A_0] : memref<32x16xf32, #tpu.memory_space<vmem>>, vector<32x16xf32>
    %reduce_sum3A = vector.shape_cast %get3A_1 : vector<32x16xf32> to vector<1x32x16xf32>
    %reduce_sum3A_2 = arith.constant dense<0.000000e+00> : vector<1xf32>
    %reduce_sum3A_3 = vector.multi_reduction <add>, %reduce_sum3A, %reduce_sum3A_2 [1, 2] : vector<1x32x16xf32> to vector<1xf32>
    %reduce_sum3A_4 = vector.shape_cast %reduce_sum3A_3 : vector<1xf32> to vector<1x1x1xf32>
    %reduce_sum3A_5 = vector.extract %reduce_sum3A_4[0, 0, 0] : f32 from vector<1x1x1xf32>
    %get3A_6 = arith.constant 0 : index
    %get3A_7 = arith.constant 0 : index
    %get3A_8 = vector.load %arg1[%get3A_6, %get3A_7] : memref<1x16xf32, #tpu.memory_space<vmem>>, vector<1x16xf32>
    %reduce_sum3A_9 = vector.shape_cast %get3A_8 : vector<1x16xf32> to vector<1x1x16xf32>
    %reduce_sum3A_10 = arith.constant dense<0.000000e+00> : vector<1xf32>
    %reduce_sum3A_11 = vector.multi_reduction <add>, %reduce_sum3A_9, %reduce_sum3A_10 [1, 2] : vector<1x1x16xf32> to vector<1xf32>
    %reduce_sum3A_12 = vector.shape_cast %reduce_sum3A_11 : vector<1xf32> to vector<1x1x1xf32>
    %reduce_sum3A_13 = vector.extract %reduce_sum3A_12[0, 0, 0] : f32 from vector<1x1x1xf32>
    %add3A = arith.addf %reduce_sum3A_5, %reduce_sum3A_13 : f32
    %mul3A = arith.constant 1.22070313E-4 : f32
    %mul3A_14 = arith.mulf %add3A, %mul3A : f32
    %swap3A = arith.constant 0 : index
    %swap3A_15 = arith.constant 0 : index
    %swap3A_16 = memref.load %arg2[%swap3A, %swap3A_15] : memref<1x1xf32, #tpu.memory_space<smem>>
    memref.store %mul3A_14, %arg2[%swap3A, %swap3A_15] : memref<1x1xf32, #tpu.memory_space<smem>>
    return
  }
}

module attributes {stable_mosaic.version = 14 : i64} {
  func.func @body(%arg0: i32, %arg1: memref<512xi32, #tpu.memory_space<vmem>>, %arg2: memref<512x512xf32, #tpu.memory_space<vmem>>, %arg3: memref<1000x512xf32, #tpu.memory_space<vmem>>, %arg4: memref<1x16xf32, #tpu.memory_space<vmem>>) attributes {dimension_semantics = [#tpu.dimension_semantics<arbitrary>], iteration_bounds = array<i64: 4>, scalar_prefetch = 0 : i64, scratch_operands = 0 : i64, tpu.core_type = #tpu.core_type<tc>, window_params = [{transform_indices = @transform_0, window_bounds = array<i64: 512>}, {transform_indices = @transform_1, window_bounds = array<i64: 512, 512>}, {pipeline_mode = #tpu.pipeline_mode<synchronous>, transform_indices = @transform_2, window_bounds = array<i64: 1000, 512>}, {pipeline_mode = #tpu.pipeline_mode<synchronous>, transform_indices = @transform_3, window_bounds = array<i64: 1, 16>}]} {
    %eq3A = arith.constant 0 : i32
    %eq3A_0 = arith.cmpi eq, %arg0, %eq3A : i32
    %convert_element_type3A = arith.extui %eq3A_0 : i1 to i32
    %cond3A = arith.constant 0 : i32
    %cond3A_1 = arith.cmpi ne, %convert_element_type3A, %cond3A : i32
    scf.if %cond3A_1 {
      %broadcast_in_dim3A_31 = arith.constant 0.000000e+00 : f32
      %broadcast_in_dim3A_32 = vector.broadcast %broadcast_in_dim3A_31 : f32 to vector<1x16xf32>
      %swap3A_33 = arith.constant 0 : index
      %swap3A_34 = arith.constant 0 : index
      %swap3A_35 = vector.load %arg4[%swap3A_33, %swap3A_34] : memref<1x16xf32, #tpu.memory_space<vmem>>, vector<1x16xf32>
      tpu.vector_store %arg4[%swap3A_33, %swap3A_34], %broadcast_in_dim3A_32 {strides = array<i32>} : memref<1x16xf32, #tpu.memory_space<vmem>>, vector<1x16xf32>,
    } else {
    }
    %get3A = arith.constant 0 : index
    %get3A_2 = vector.load %arg1[%get3A] : memref<512xi32, #tpu.memory_space<vmem>>, vector<512xi32>
    %broadcast_in_dim3A = vector.shape_cast %get3A_2 : vector<512xi32> to vector<512x1xi32>
    %iota3A = tpu.iota {dimensions = array<i32: 1>} : vector<512x1000xi32>
    %eq3A_3 = vector.broadcast %broadcast_in_dim3A : vector<512x1xi32> to vector<512x1000xi32>
    %eq3A_4 = arith.cmpi eq, %eq3A_3, %iota3A : vector<512x1000xi32>
    %convert_element_type3A_5 = arith.extui %eq3A_4 : vector<512x1000xi1> to vector<512x1000xi32>
    %convert_element_type3A_6 = arith.sitofp %convert_element_type3A_5 : vector<512x1000xi32> to vector<512x1000xf32>
    %convert_element_type3A_7 = arith.truncf %convert_element_type3A_6 : vector<512x1000xf32> to vector<512x1000xbf16>
    %get3A_8 = arith.constant 0 : index
    %get3A_9 = arith.constant 0 : index
    %get3A_10 = vector.load %arg3[%get3A_8, %get3A_9] : memref<1000x512xf32, #tpu.memory_space<vmem>>, vector<1000x512xf32>
    %convert_element_type3A_11 = arith.truncf %get3A_10 : vector<1000x512xf32> to vector<1000x512xbf16>
    %dot_general3A = arith.constant dense<0.000000e+00> : vector<512x512xf32>
    %dot_general3A_12 = tpu.matmul %convert_element_type3A_7, %convert_element_type3A_11, %dot_general3A {dimension_numbers = #tpu.dot_dimension_numbers<[1], [0], [0], [1], [0, 0, 1, 1], [], []>, transpose_lhs_hint = false} : vector<512x1000xbf16>, vector<1000x512xbf16>, vector<512x512xf32> -> vector<512x512xf32>
    %get3A_13 = arith.constant 0 : index
    %get3A_14 = arith.constant 0 : index
    %get3A_15 = vector.load %arg2[%get3A_13, %get3A_14] : memref<512x512xf32, #tpu.memory_space<vmem>>, vector<512x512xf32>
    %sub3A = arith.subf %get3A_15, %dot_general3A_12 : vector<512x512xf32>
    %iota3A_16 = tpu.iota {dimensions = array<i32: 1>} : vector<1x16xi32>
    %eq3A_17 = arith.constant 0 : i32
    %eq3A_18 = vector.broadcast %eq3A_17 : i32 to vector<1x16xi32>
    %eq3A_19 = arith.cmpi eq, %iota3A_16, %eq3A_18 : vector<1x16xi32>
    %get3A_20 = arith.constant 0 : index
    %get3A_21 = arith.constant 0 : index
    %get3A_22 = vector.load %arg4[%get3A_20, %get3A_21] : memref<1x16xf32, #tpu.memory_space<vmem>>, vector<1x16xf32>
    %mul3A = arith.mulf %sub3A, %sub3A : vector<512x512xf32>
    %reduce_sum3A = vector.shape_cast %mul3A : vector<512x512xf32> to vector<1x512x512xf32>
    %reduce_sum3A_23 = arith.constant dense<0.000000e+00> : vector<1xf32>
    %reduce_sum3A_24 = vector.multi_reduction <add>, %reduce_sum3A, %reduce_sum3A_23 [1, 2] : vector<1x512x512xf32> to vector<1xf32>
    %reduce_sum3A_25 = vector.shape_cast %reduce_sum3A_24 : vector<1xf32> to vector<1x1x1xf32>
    %reduce_sum3A_26 = vector.extract %reduce_sum3A_25[0, 0, 0] : f32 from vector<1x1x1xf32>
    %jit3A = arith.constant 0.000000e+00 : f32
    %broadcast_in_dim3A_27 = vector.broadcast %reduce_sum3A_26 : f32 to vector<1x16xf32>
    %broadcast_in_dim3A_28 = vector.broadcast %jit3A : f32 to vector<1x16xf32>
    %select_n3A = arith.select %eq3A_19, %broadcast_in_dim3A_27, %broadcast_in_dim3A_28 : vector<1x16xi1>, vector<1x16xf32>
    %add3A = arith.addf %get3A_22, %select_n3A : vector<1x16xf32>
    %swap3A = arith.constant 0 : index
    %swap3A_29 = arith.constant 0 : index
    %swap3A_30 = vector.load %arg4[%swap3A, %swap3A_29] : memref<1x16xf32, #tpu.memory_space<vmem>>, vector<1x16xf32>
    tpu.vector_store %arg4[%swap3A, %swap3A_29], %add3A {strides = array<i32>} : memref<1x16xf32, #tpu.memory_space<vmem>>, vector<1x16xf32>,
    return
  }
  func.func @transform_0(%arg0: i32) -> i32 {
    %add3A = arith.constant 4 : i32
    %add3A_0 = arith.addi %arg0, %add3A : i32
    %c0_i32 = arith.constant 0 : i32
    return %add3A_0 : i32
  }
  func.func @transform_1(%arg0: i32) -> (i32, i32) {
    %add3A = arith.constant 4 : i32
    %add3A_0 = arith.addi %arg0, %add3A : i32
    %c0_i32 = arith.constant 0 : i32
    %c0_i32_1 = arith.constant 0 : i32
    return %add3A_0, %c0_i32 : i32, i32
  }
  func.func @transform_2(%arg0: i32) -> (i32, i32) {
    %c0_i32 = arith.constant 0 : i32
    %c0_i32_0 = arith.constant 0 : i32
    %c0_i32_1 = arith.constant 0 : i32
    return %c0_i32, %c0_i32_0 : i32, i32
  }
  func.func @transform_3(%arg0: i32) -> (i32, i32) {
    %c0_i32 = arith.constant 0 : i32
    %c0_i32_0 = arith.constant 0 : i32
    %c0_i32_1 = arith.constant 0 : i32
    return %c0_i32, %c0_i32_0 : i32, i32
  }
}

</mosaic_0001>

<sc_bundles>
// kernel: kernel.5.cloned.1.call-start
scs
__scs_entry_jumppad:
0x0: {  	(pc) =	sbr.rel $0x88, $3  }
0x1: {  	(tag) =	ssettag $0x0;
	lr =	simm.s32 $0x1  }
0x2: {  	[smem:$0x3F9E] =	sst lr;
	_ =	strace $0xD0000000  }
0x3: {  	_ = 	snop  }
0x4: {  	_ = 	snop  }
0x5: {  	_ = 	snop  }
0x6: {  	_ = 	snop  }
0x7: {  	_ = 	snop  }
__scs_overlays_trampoline_lowered:
0x8: {  	[smem:$0x3FAD] =	sst s0  }
0x9: {  	[smem:$0x3FAE] =	sst s1  }
0xa: {  	[smem:$0x3FAF] =	sst s2  }
0xb: {  	[smem:$0x3FB0] =	sst s3  }
0xc: {  	[smem:$0x3FB1] =	sst s4  }
0xd: {  	[smem:$0x3FB2] =	sst s5  }
0xe: {  	[smem:$0x3FB3] =	sst s6  }
0xf: {  	[smem:$0x3FB4] =	sst s7  }
0x10: {  	[smem:$0x3FB5] =	sst s8  }
0x11: {  	[smem:$0x3FB6] =	sst s9;
	s0 =	simm.s32 @!p0 $0x0  }
0x12: {  	s1 =	sld [smem:$0x3F9C];
	s0 =	simm.s32 @p0 $0x1  }
0x13: {  	[smem:$0x3FB7] =	sst s0;
	s0 =	simm.s32 @!p1 $0x0  }
0x14: {  	s2 =	sld [smem:$0x3F9B];
	s0 =	simm.s32 @p1 $0x1  }
0x15: {  	[smem:$0x3FB8] =	sst s0;
	s0 =	simm.s32 @!p2 $0x0  }
0x16: {  	s3 =	sld [smem:$0x3FDB];
	s0 =	simm.s32 @p2 $0x1  }
0x17: {  	s4 =	simm.s32 $0x1BF5;
	[smem:$0x3FBA] =	sst s0  }
0x18: {  	s0 =	sld [smem:$0x3F9D];
	_ =	swait.ge [sflag:s4], $0x0  }
0x19: {  	s7 =	sld [smem:$0x3F9E]  }
0x1a: {  	s8 =	sadd.s32 $0xFFFFE003, lr  }
0x1b: {  	s9 =	sadd.s32 $0xFFFFFEF7, lr;
	s5 =	simm.s32 $0xFFFFFFFF;
	p2 =	slt.u32 s8, $0xFFFFF086  }
0x1c: {  	p1 =	slt.u32 s9, $0xF7A;
	s5 =	simm.s32 @!p2 $0x0  }
0x1d: {  	s5 =	simm.s32 @p1 $0x1;
	p0 =	seq.s32 s7, s2  }
0x1e: {  	s7 =	smul.u32 @!p0 $0xF7A, s2;
	p2 =	seq.s32 @!p0 s5, $0x0  }
0x1f: {  	s9 =	smul.u32 $0xF7A, s1;
	s8 =	simm.s32 @!p0 $0x1BF5;
	p2 =	por !p2, p0  }
0x20: {  	[sflag:s8] =	ssyncset.s32 @!p0 $0xFFFFF086;
	s6 =	sadd.s32 @!p0 s3, s7;
	s7 =	simm.s32 @!p0 $0x108  }
0x21: {  	s3 =	sadd.s32 s3, s9;
	s6 =	sadd.s32 @!p0 $0x88, s6;
	s7 =	simm.s32 @p2 $0x1082  }
0x22: {  	[simem:s7], [sflag:s8] =	dma.local @!p0 [hbm:s6], $0xF7A  }
0x23: {  	s9 =	sor.u32 $0xD0000000, s2;
	s6 =	simm.s32 $0x108;
	_ =	swait.ge @!p0 [sflag:s8], $0x0  }
0x24: {  	s3 =	sadd.s32 $0x88, s3;
	s6 =	simm.s32 @!p1 $0x1082;
	[sflag:s4] =	ssyncset.s32 $0xFFFFF086  }
0x25: {  	[simem:s6], [sflag:s4] =	dma.local [hbm:s3], $0xF7A  }
0x26: {  	[smem:$0x3F9E] =	sst s1;
	(tag) =	ssettag s2;
	_ =	strace s9  }
0x27: {  	s1 =	sld [smem:$0x3FAE]  }
0x28: {  	s2 =	sld [smem:$0x3FAF]  }
0x29: {  	s4 =	sld [smem:$0x3FB1]  }
0x2a: {  	p0 =	seq.s32 s5, $0x0;
	s5 =	sld [smem:$0x3FB2]  }
0x2b: {  	s6 =	sld [smem:$0x3FB3]  }
0x2c: {  	s7 =	sld [smem:$0x3FB4]  }
0x2d: {  	s3 =	simm.s32 $0x108;
	s8 =	sld [smem:$0x3FB5]  }
0x2e: {  	s3 =	simm.s32 @!p0 $0x1082;
	s9 =	sld [smem:$0x3FB6]  }
0x2f: {  	lr =	sadd.s32 s0, s3;
	s0 =	sld [smem:$0x3FAD]  }
0x30: {  	s3 =	sld [smem:$0x3FB0]  }
0x31: {  	[smem:$0x3FB9] =	sst s10  }
0x32: {  	s10 =	sld [smem:$0x3FB7];
	_ =	sdelay $0x3  }
0x33: {  	p0 =	seq.s32 s10, $0x1;
	s10 =	sld [smem:$0x3FB9];
	_ =	sdelay $0x3  }
0x34: {  	[smem:$0x3FB9] =	sst s10  }
0x35: {  	s10 =	sld [smem:$0x3FB8];
	_ =	sdelay $0x3  }
0x36: {  	p1 =	seq.s32 s10, $0x1;
	s10 =	sld [smem:$0x3FB9];
	_ =	sdelay $0x3  }
0x37: {  	[smem:$0x3FB9] =	sst s10  }
0x38: {  	s10 =	sld [smem:$0x3FBA]  }
0x39: {  	_ = 	snop;
	(pc) =	sbr.ind lr, $3  }
0x3a: {  	_ = 	snop  }
0x3b: {  	_ = 	snop  }
0x3c: {  	p2 =	seq.s32 s10, $0x1;
	s10 =	sld [smem:$0x3FB9]  }
0x3d: {  	_ =	shalt  }
0x3e: {  	_ =	shalt  }
0x3f: {  	_ =	shalt  }
0x40: {  	_ =	shalt  }
0x41: {  	_ =	shalt  }
0x42: {  	_ =	shalt  }
0x43: {  	_ =	shalt  }
0x44: {  	_ =	shalt  }
0x45: {  	_ =	shalt  }
0x46: {  	_ =	shalt  }
0x47: {  	_ =	shalt  }
0x48: {  	_ =	shalt  }
0x49: {  	_ =	shalt  }
0x4a: {  	_ =	shalt  }
0x4b: {  	_ =	shalt  }
0x4c: {  	_ =	shalt  }
0x4d: {  	_ =	shalt  }
0x4e: {  	_ =	shalt  }
0x4f: {  	_ =	shalt  }
0x50: {  	_ =	shalt  }
0x51: {  	_ =	shalt  }
0x52: {  	_ =	shalt  }
0x53: {  	_ =	shalt  }
0x54: {  	_ =	shalt  }
0x55: {  	_ =	shalt  }
0x56: {  	_ =	shalt  }
0x57: {  	_ =	shalt  }
0x58: {  	_ =	shalt  }
0x59: {  	_ =	shalt  }
0x5a: {  	_ =	shalt  }
0x5b: {  	_ =	shalt  }
0x5c: {  	_ =	shalt  }
0x5d: {  	_ =	shalt  }
0x5e: {  	_ =	shalt  }
0x5f: {  	_ =	shalt  }
0x60: {  	_ =	shalt  }
0x61: {  	_ =	shalt  }
0x62: {  	_ =	shalt  }
0x63: {  	_ =	shalt  }
0x64: {  	_ =	shalt  }
0x65: {  	_ =	shalt  }
0x66: {  	_ =	shalt  }
0x67: {  	_ =	shalt  }
0x68: {  	_ =	shalt  }
0x69: {  	_ =	shalt  }
0x6a: {  	_ =	shalt  }
0x6b: {  	_ =	shalt  }
0x6c: {  	_ =	shalt  }
0x6d: {  	_ =	shalt  }
0x6e: {  	_ =	shalt  }
0x6f: {  	_ =	shalt  }
0x70: {  	_ =	shalt  }
0x71: {  	_ =	shalt  }
0x72: {  	_ =	shalt  }
0x73: {  	_ =	shalt  }
0x74: {  	_ =	shalt  }
0x75: {  	_ =	shalt  }
0x76: {  	_ =	shalt  }
0x77: {  	_ =	shalt  }
0x78: {  	_ =	shalt  }
0x79: {  	_ =	shalt  }
0x7a: {  	_ =	shalt  }
0x7b: {  	_ =	shalt  }
0x7c: {  	_ =	shalt  }
0x7d: {  	_ =	shalt  }
0x7e: {  	_ =	shalt  }
0x7f: {  	_ =	shalt  }
0x80: {  	_ =	shalt  }
0x81: {  	_ =	shalt  }
0x82: {  	_ =	shalt  }
0x83: {  	_ =	shalt  }
0x84: {  	_ =	shalt  }
0x85: {  	_ =	shalt  }
0x86: {  	_ =	shalt  }
0x87: {  	_ =	shalt  }
.Lfunc_end0:
.L_simem_size_0:
called_computation_lowered:
.L_overlay_start_0:
0x88: {  	s2 =	sld [smem:$0x3FD9]  }
0x89: {  	s3 =	sld [smem:$0x3FFE];
	_ =	sdelay $0x1  }
0x8a: {  	s1 =	srdreg.scid  }
0x8b: {  	s0 =	sand.u32 $0x1, s1  }
0x8c: {  	s17 =	sshll.u32 s0, $0xA;
	s2 =	sadd.s32 s3, s2  }
0x8d: {  	s2 =	sadd.s32 s2, s17  }
0x8e: {  	[smem:$0x3FC5] =	sst s2  }
0x8f: {  	_ = 	snop  }
0x90: {  	s2 =	sld [smem:$0x3FC9]  }
0x91: {  	s18 =	sld [smem:$0x3FC8]  }
0x92: {  	s4 =	sld [smem:$0x3FC7];
	(tm) =	ssettm $0x1  }
0x93: {  	s5 =	sld [smem:$0x3FFB];
	_ =	sdelay $0x3  }
0x94: {  	_ =	strace s5  }
0x95: {  	s5 =	sld [smem:$0x3FFC];
	_ =	sdelay $0x3  }
0x96: {  	_ =	strace s5  }
0x97: {  	s5 =	sld [smem:$0x3FFD];
	_ =	sdelay $0x3  }
0x98: {  	_ =	strace s5  }
0x99: {  	_ =	strace $0x8FFFFFFF  }
0x9a: {  	s19 =	sld [smem:$0x3FDB];
	_ =	sdelay $0x1  }
0x9b: {  	s6 =	simm.s32 $_scs_section_size  }
0x9c: {  	s7 =	simm.s32 $_size__tile_overlayer_lowered;
	s8 =	simm.s32 $_tile_overlayer_lowered  }
0x9d: {  	s22 =	simm.s32 $0x1BFF;
	s21 =	sshll.u32 s8, $0x1;
	s5 =	sadd.s32 s6, s19  }
0x9e: {  	s9 =	simm.s32 $0x0;
	s20 =	sshll.u32 s7, $0x1;
	s7 =	sadd.s32 s21, s5  }
0x9f: {  	[timem:s9], [sflag:s22] =	dma.local [hbm:s7], s20  }
0xa0: {  	_ =	swait.ge [sflag:s22], s20  }
0xa1: {  	s6 =	ssub.s32 $0x0, s20;
	[sflag:s22] =	ssyncset.done $0x0  }
0xa2: {  	[sflag:s22] =	ssyncadd.s32 s6;
	_ =	sdelay $0x1  }
0xa3: {  	s23 =	simm.s32 $0x1B8B  }
0xa4: {  	_ =	swait.ge [sflag:s23], $0x1  }
0xa5: {  	[sflag:s23] =	ssyncset.done $0x0  }
0xa6: {  	s25 =	simm.s32 $0x1B8E;
	s24 =	sld [smem:$0x3FFE];
	[sflag:s23] =	ssyncadd.s32 $0xFFFFFFFF  }
0xa7: {  	s26 =	simm.s32 $execute0_lowered;
	[smem:$0x3FD2] =	sst s25  }
0xa8: {  	s7 =	sshll.u32 s26, $0x1;
	_ =	strace $0x80000046;
	[dreg:$0x1] =	wrdreg $0xFFFFFFFF  }
0xa9: {  	s28 =	simm.s32 $_size_execute0_lowered;
	s5 =	sadd.s32 s5, s7;
	[dreg:$0x0] =	wrdreg $0x0  }
0xaa: {  	s7 =	sshll.u32 s28, $0x1;
	[dreg:$0x2] =	wrdreg s5  }
0xab: {  	[dreg:$0x3] =	wrdreg s7  }
0xac: {  	[dreg:$0x4] =	wrdreg $0xC0  }
0xad: {  	_ =	task [dreg:s9], $0x5FFFF  }
0xae: {  	[dreg:$0x1] =	wrdreg $0xFFFFFFFF  }
0xaf: {  	[dreg:$0x0] =	wrdreg $0x60  }
0xb0: {  	[dreg:$0x2] =	wrdreg s2  }
0xb1: {  	[dreg:$0x3] =	wrdreg s18  }
0xb2: {  	[dreg:$0x4] =	wrdreg s4  }
0xb3: {  	[dreg:$0x5] =	wrdreg s24  }
0xb4: {  	[dreg:$0x6] =	wrdreg $0x9  }
0xb5: {  	_ =	task.clear_ibuf [dreg:s9], $0x7FFFF;
	_ =	strace $0x90000046  }
0xb6: {  	s29 =	simm.s32 $0x9;
	_ =	strace $0x80000048  }
0xb7: {  	_ =	swait.ge [sflag:s29], $0x1  }
0xb8: {  	[sflag:s29] =	ssyncadd.s32 $0xFFFFFFFF  }
0xb9: {  	_ =	strace $0x90000048  }
0xba: {  	_ =	sfence  }
0xbb: {  	s30 =	sld [smem:$0x0];
	_ =	sdelay $0x2  }
0xbc: {  	s31 =	sshll.u32 s1, $0xD;
	s1 =	sshrl.u32 s1, $0x2  }
0xbd: {  	s3 =	sand.u32 $0x4000, s31;
	s1 =	sadd.s32 s1, s30  }
0xbe: {  	s0 =	sor.u32 s3, s0;
	s1 =	sshll.u32 s1, $0x11  }
0xbf: {  	s0 =	sor.u32 s1, s0  }
0xc0: {  	s0 =	sadd.s32 $0x8F2B, s0  }
0xc1: {  	[sflag:s0] =	ssyncadd.remote.s32 $0x1  }
0xc2: {  	_ =	sfence.sel $0xFFFF  }
0xc3: {  	[dreg:$0x0] =	wrdreg $0xFFFFFFFF;
	(pc) =	sbr.abs _section_cstart, $3  }
0xc4: {  	[dreg:$0x1] =	wrdreg $0xFFFFFFFF  }
0xc5: {  	_ =	task.clear_ibuf [dreg:s9], $0x2FFFF;
	_ =	strace $0x9FFFFFFF  }
0xc6: {  	(tm) =	ssettm $0x7FFFFFFF  }
0xc7: {  	_ =	shalt  }
tec
execute0_lowered:
.L_overlay_start_1:
0x0: {  	(tag) =	ssettag $0x1  }
0x1: {  	s0 =	rddreg [dreg:$0x0]  }
0x2: {  	s1 =	rddreg [dreg:$0x1]  }
0x3: {  	s2 =	rddreg [dreg:$0x2]  }
0x4: {  	s4 =	rddreg [dreg:$0x3]  }
0x5: {  	s5 =	srdreg.scid;
	s6 =	stileid.u32;
	s3 =	simm.s32 $0x0  }
0x6: {  	s10 =	simm.s32 $0x5;
	s18 =	simm.s32 $0x3880;
	s19 =	simm.s32 $0x8080  }
0x7: {  	s20 =	simm.s32 $0x4080;
	s21 =	simm.s32 $0x4880;
	s22 =	simm.s32 $0x5080  }
0x8: {  	s23 =	simm.s32 $0x5880;
	s28 =	simm.s32 $0x7880;
	s29 =	simm.s32 $0xC080  }
0x9: {  	s30 =	simm.s32 $0x1;
	s31 =	simm.s32 $0x3;
	s11 =	simm.s32 $0x10080  }
0xa: {  	s12 =	simm.s32 $0x0;
	s5 =	sand.u32 $0x1, s5;
	s6 =	sshll.u32 s6, $0x1  }
0xb: {  	[smem:$0x7FF] =	sst s3;
	s6 =	sor.u32 s5, s6;
	s5 =	ssub.s32 $0x2, s5  }
0xc: {  	_ =	strace $0x80000047;
	s7 =	sshll.u32 s6, $0x4;
	s24 =	sshrl.u32 s5, $0x1  }
0xd: {  	s25 =	sshll.u32 s6, $0xC;
	s26 =	sshll.u32 s6, $0x3;
	s6 =	sadd.s32 $0x100, s2  }
0xe: {  	s8 =	sadd.s32 s7, s4;
	s9 =	ssub.s32 s5, s24;
	s4 =	sadd.s32 s0, s25  }
0xf: {  	v2 =	vlaneseq.u32;
	s5 =	sadd.s32 s1, s26;
	s24 =	simm.s32 $0x6080;
	s25 =	simm.s32 $0x6880  }
0x10: {  	vm0 =	vmmov $0xffff;
	v1 =	vshrl.u32 v2, $0x3;
	s26 =	simm.s32 $0x7080;
	s0 =	simm.s32 $0x2;
	s1 =	simm.s32 $0x4  }
0x11: {  	v0 =	vand.u32 $0x7, v2;
	v2 =	vor.u32 $0x8, v2;
	v1 =	vmul.u32 $0x8, v1;
	s7 =	sadd.s32 $0x800, s4;
	s8 =	sadd.s32 $0xC00, s8;
	s9 =	smax.u32 s9, $0x1  }
.LBB2_1:
0x12: {  	[tilespmem:s3], [sflag:$0x5] =	stream.linear.gather [hbm4b:s5+s3], $0x40, $0x38;
	[tilespmem:$0x10100] =	vst v63  }
0x13: {  	_ =	swait.ge [sflag:s10], $0x40  }
0x14: {  	[sflag:s10] =	ssyncset.done $0x0  }
0x15: {  	[sflag:s10] =	ssyncadd.s32 $0xFFFFFFC0  }
0x16: {  	v3 =	vld [tilespmem:$0x0];
	_ =	sdelay $0x4  }
0x17: {  	v4 =	vshll.u32 v3, $0x2  }
0x18: {  	v3 =	vand.u32 $0x7, v3;
	v4 =	vand.u32 $0xFFFFFFE0, v4  }
0x19: {  	v3 =	vor.u32 v3, v4  }
0x1a: {  	v4 =	vperm.xlane v3, v0;
	_ =	sdelay $0x1  }
0x1b: {  	v4 =	vadd.s32 v1, v4;
	_ =	sdelay $0x1  }
0x1c: {  	v3 =	vperm.xlane v3, v2;
	_ =	sdelay $0x1  }
0x1d: {  	s13 =	simm.s32 $0x80;
	v3 =	vadd.s32 v1, v3  }
0x1e: {  	[tilespmem:s13], [sflag:$0x1] =	stream.indirect_vreg.gather [hbm4b:s2+s3], $0x80, v4, vm0, $0xb8;
	[tilespmem:$0x10100] =	vst v63  }
0x1f: {  	s14 =	simm.s32 $0x880  }
0x20: {  	[tilespmem:s14], [sflag:$0x1] =	stream.indirect_vreg.gather [hbm4b:s6+s3], $0x80, v4, vm0, $0xb8;
	[tilespmem:$0x10100] =	vst v63  }
0x21: {  	s15 =	simm.s32 $0x1080  }
0x22: {  	[tilespmem:s15], [sflag:$0x1] =	stream.indirect_vreg.gather [hbm4b:s2+s3], $0x80, v3, vm0, $0xb8;
	[tilespmem:$0x10100] =	vst v63  }
0x23: {  	s16 =	simm.s32 $0x1880  }
0x24: {  	[tilespmem:s16], [sflag:$0x1] =	stream.indirect_vreg.gather [hbm4b:s6+s3], $0x80, v3, vm0, $0xb8;
	[tilespmem:$0x10100] =	vst v63  }
0x25: {  	v3 =	vld [tilespmem:$0x10];
	_ =	sdelay $0x4  }
0x26: {  	v4 =	vshll.u32 v3, $0x2  }
0x27: {  	v3 =	vand.u32 $0x7, v3;
	v4 =	vand.u32 $0xFFFFFFE0, v4  }
0x28: {  	v3 =	vor.u32 v3, v4  }
0x29: {  	v4 =	vperm.xlane v3, v0;
	_ =	sdelay $0x1  }
0x2a: {  	v4 =	vadd.s32 v1, v4;
	_ =	sdelay $0x1  }
0x2b: {  	v3 =	vperm.xlane v3, v2;
	_ =	sdelay $0x1  }
0x2c: {  	s17 =	simm.s32 $0x2080;
	v3 =	vadd.s32 v1, v3  }
0x2d: {  	[tilespmem:s17], [sflag:$0x1] =	stream.indirect_vreg.gather [hbm4b:s2+s3], $0x80, v4, vm0, $0xb8;
	[tilespmem:$0x10100] =	vst v63  }
0x2e: {  	s14 =	simm.s32 $0x2880  }
0x2f: {  	[tilespmem:s14], [sflag:$0x1] =	stream.indirect_vreg.gather [hbm4b:s6+s3], $0x80, v4, vm0, $0xb8;
	[tilespmem:$0x10100] =	vst v63  }
0x30: {  	s15 =	simm.s32 $0x3080  }
0x31: {  	[tilespmem:s15], [sflag:$0x1] =	stream.indirect_vreg.gather [hbm4b:s2+s3], $0x80, v3, vm0, $0xb8;
	[tilespmem:$0x10100] =	vst v63  }
0x32: {  	_ = 	snop  }
0x33: {  	[tilespmem:s18], [sflag:$0x1] =	stream.indirect_vreg.gather [hbm4b:s6+s3], $0x80, v3, vm0, $0xb8;
	[tilespmem:$0x10100] =	vst v63  }
0x34: {  	_ = 	snop  }
0x35: {  	[tilespmem:s19], [sflag:$0x3] =	stream.linear.gather [hbm4b:s4+s3], $0x4000, $0x38;
	[tilespmem:$0x10100] =	vst v63  }
0x36: {  	v3 =	vld [tilespmem:$0x20];
	_ =	sdelay $0x4  }
0x37: {  	v4 =	vshll.u32 v3, $0x2  }
0x38: {  	v3 =	vand.u32 $0x7, v3;
	v4 =	vand.u32 $0xFFFFFFE0, v4  }
0x39: {  	v3 =	vor.u32 v3, v4  }
0x3a: {  	v4 =	vperm.xlane v3, v0;
	_ =	sdelay $0x1  }
0x3b: {  	v4 =	vadd.s32 v1, v4;
	_ =	sdelay $0x1  }
0x3c: {  	v3 =	vperm.xlane v3, v2;
	_ =	sdelay $0x1  }
0x3d: {  	v3 =	vadd.s32 v1, v3  }
0x3e: {  	[tilespmem:s20], [sflag:$0x2] =	stream.indirect_vreg.gather [hbm4b:s2+s3], $0x80, v4, vm0, $0xb8;
	[tilespmem:$0x10100] =	vst v63  }
0x3f: {  	_ = 	snop  }
0x40: {  	[tilespmem:s21], [sflag:$0x2] =	stream.indirect_vreg.gather [hbm4b:s6+s3], $0x80, v4, vm0, $0xb8;
	[tilespmem:$0x10100] =	vst v63  }
0x41: {  	_ = 	snop  }
0x42: {  	[tilespmem:s22], [sflag:$0x2] =	stream.indirect_vreg.gather [hbm4b:s2+s3], $0x80, v3, vm0, $0xb8;
	[tilespmem:$0x10100] =	vst v63  }
0x43: {  	_ = 	snop  }
0x44: {  	[tilespmem:s23], [sflag:$0x2] =	stream.indirect_vreg.gather [hbm4b:s6+s3], $0x80, v3, vm0, $0xb8;
	[tilespmem:$0x10100] =	vst v63  }
0x45: {  	v3 =	vld [tilespmem:$0x30];
	_ =	sdelay $0x4  }
0x46: {  	v4 =	vshll.u32 v3, $0x2  }
0x47: {  	v3 =	vand.u32 $0x7, v3;
	v4 =	vand.u32 $0xFFFFFFE0, v4  }
0x48: {  	v3 =	vor.u32 v3, v4  }
0x49: {  	v4 =	vperm.xlane v3, v0;
	_ =	sdelay $0x1  }
0x4a: {  	v4 =	vadd.s32 v1, v4;
	_ =	sdelay $0x1  }
0x4b: {  	v3 =	vperm.xlane v3, v2;
	_ =	sdelay $0x1  }
0x4c: {  	v3 =	vadd.s32 v1, v3  }
0x4d: {  	[tilespmem:s24], [sflag:$0x2] =	stream.indirect_vreg.gather [hbm4b:s2+s3], $0x80, v4, vm0, $0xb8;
	[tilespmem:$0x10100] =	vst v63  }
0x4e: {  	_ = 	snop  }
0x4f: {  	[tilespmem:s25], [sflag:$0x2] =	stream.indirect_vreg.gather [hbm4b:s6+s3], $0x80, v4, vm0, $0xb8;
	[tilespmem:$0x10100] =	vst v63  }
0x50: {  	_ = 	snop  }
0x51: {  	[tilespmem:s26], [sflag:$0x2] =	stream.indirect_vreg.gather [hbm4b:s2+s3], $0x80, v3, vm0, $0xb8;
	[tilespmem:$0x10100] =	vst v63  }
0x52: {  	_ = 	snop  }
0x53: {  	[tilespmem:s28], [sflag:$0x2] =	stream.indirect_vreg.gather [hbm4b:s6+s3], $0x80, v3, vm0, $0xb8;
	[tilespmem:$0x10100] =	vst v63  }
0x54: {  	_ = 	snop  }
0x55: {  	[tilespmem:s29], [sflag:$0x4] =	stream.linear.gather [hbm4b:s7+s3], $0x4000, $0x38;
	[tilespmem:$0x10100] =	vst v63  }
0x56: {  	_ =	swait.ge [sflag:s30], $0x4000  }
0x57: {  	[sflag:s30] =	ssyncset.done $0x0  }
0x58: {  	[sflag:s30] =	ssyncadd.s32 $0xFFFFC000  }
0x59: {  	_ =	swait.ge [sflag:s31], $0x4000  }
0x5a: {  	s16 =	sand.u32 $0x3000, s3;
	s14 =	sand.u32 $0x380, s3;
	[sflag:s31] =	ssyncset.done $0x0  }
0x5b: {  	s15 =	sor.u32 s14, s16;
	[sflag:s31] =	ssyncadd.s32 $0xFFFFC000  }
0x5c: {  	v3 =	vld [tilespmem:s15+$0x8080]  }
0x5d: {  	v4 =	vld [tilespmem:s15+$0x80]  }
0x5e: {  	v5 =	vld [tilespmem:s15+$0x8090]  }
0x5f: {  	v6 =	vld [tilespmem:s15+$0x90]  }
0x60: {  	v7 =	vld [tilespmem:s15+$0x80A0]  }
0x61: {  	v8 =	vld [tilespmem:s15+$0xA0]  }
0x62: {  	v9 =	vld [tilespmem:s15+$0x80B0];
	v3 =	vsub.f32 v3, v4  }
0x63: {  	v4 =	vld [tilespmem:s15+$0xB0]  }
0x64: {  	v10 =	vld [tilespmem:s15+$0x80C0];
	v5 =	vsub.f32 v5, v6;
	v3 =	vmul.f32 v3, v3  }
0x65: {  	v11 =	vimm.f32 $0.0e+00;
	v6 =	vld [tilespmem:s15+$0xC0]  }
0x66: {  	v12 =	vld [tilespmem:s15+$0x80D0];
	v7 =	vsub.f32 v7, v8;
	v5 =	vmul.f32 v5, v5;
	v3 =	vadd.f32 v3, v11  }
0x67: {  	v8 =	vld [tilespmem:s15+$0xD0]  }
0x68: {  	v11 =	vld [tilespmem:s15+$0x80E0];
	v4 =	vsub.f32 v9, v4;
	v3 =	vadd.f32 v5, v3;
	v5 =	vmul.f32 v7, v7  }
0x69: {  	v7 =	vld [tilespmem:s15+$0xE0]  }
0x6a: {  	v9 =	vld [tilespmem:s15+$0x80F0];
	v4 =	vmul.f32 v4, v4;
	v3 =	vadd.f32 v5, v3;
	v5 =	vsub.f32 v10, v6  }
0x6b: {  	v6 =	vld [tilespmem:s15+$0xF0]  }
0x6c: {  	v10 =	vld [tilespmem:s15+$0x8480];
	v3 =	vadd.f32 v4, v3;
	v4 =	vmul.f32 v5, v5;
	v5 =	vsub.f32 v12, v8  }
0x6d: {  	v8 =	vld [tilespmem:s15+$0x480]  }
0x6e: {  	v58 =	vld [tilespmem:s15+$0x8490];
	v3 =	vadd.f32 v4, v3;
	v4 =	vmul.f32 v5, v5;
	v5 =	vsub.f32 v11, v7  }
0x6f: {  	v7 =	vld [tilespmem:s15+$0x490]  }
0x70: {  	v11 =	vld [tilespmem:s15+$0x84A0];
	v3 =	vadd.f32 v4, v3;
	v4 =	vmul.f32 v5, v5;
	v5 =	vsub.f32 v9, v6  }
0x71: {  	v6 =	vld [tilespmem:s15+$0x4A0]  }
0x72: {  	v9 =	vld [tilespmem:s15+$0x84B0];
	v3 =	vadd.f32 v4, v3;
	v4 =	vmul.f32 v5, v5;
	v5 =	vsub.f32 v10, v8  }
0x73: {  	v8 =	vld [tilespmem:s15+$0x4B0]  }
0x74: {  	v10 =	vld [tilespmem:s15+$0x84C0];
	v3 =	vadd.f32 v4, v3;
	v4 =	vmul.f32 v5, v5;
	v5 =	vsub.f32 v58, v7  }
0x75: {  	v7 =	vld [tilespmem:s15+$0x4C0]  }
0x76: {  	v59 =	vld [tilespmem:s15+$0x84D0];
	v3 =	vadd.f32 v4, v3;
	v4 =	vmul.f32 v5, v5;
	v5 =	vsub.f32 v11, v6  }
0x77: {  	v6 =	vld [tilespmem:s15+$0x4D0]  }
0x78: {  	v11 =	vld [tilespmem:s15+$0x84E0];
	v3 =	vadd.f32 v4, v3;
	v4 =	vmul.f32 v5, v5;
	v5 =	vsub.f32 v9, v8  }
0x79: {  	v8 =	vld [tilespmem:s15+$0x4E0]  }
0x7a: {  	v9 =	vld [tilespmem:s15+$0x84F0];
	v3 =	vadd.f32 v4, v3;
	v4 =	vmul.f32 v5, v5;
	v5 =	vsub.f32 v10, v7  }
0x7b: {  	v7 =	vld [tilespmem:s15+$0x4F0]  }
0x7c: {  	v10 =	vld [tilespmem:s15+$0x8880];
	v3 =	vadd.f32 v4, v3;
	v4 =	vmul.f32 v5, v5;
	v5 =	vsub.f32 v59, v6  }
0x7d: {  	v6 =	vld [tilespmem:s15+$0x880]  }
0x7e: {  	v60 =	vld [tilespmem:s15+$0x8890];
	v3 =	vadd.f32 v4, v3;
	v4 =	vmul.f32 v5, v5;
	v5 =	vsub.f32 v11, v8  }
0x7f: {  	v8 =	vld [tilespmem:s15+$0x890]  }
0x80: {  	v11 =	vld [tilespmem:s15+$0x88A0];
	v3 =	vadd.f32 v4, v3;
	v4 =	vmul.f32 v5, v5;
	v5 =	vsub.f32 v9, v7  }
0x81: {  	v7 =	vld [tilespmem:s15+$0x8A0]  }
0x82: {  	v9 =	vld [tilespmem:s15+$0x88B0];
	v3 =	vadd.f32 v4, v3;
	v4 =	vmul.f32 v5, v5;
	v5 =	vsub.f32 v10, v6  }
0x83: {  	v6 =	vld [tilespmem:s15+$0x8B0]  }
0x84: {  	v10 =	vld [tilespmem:s15+$0x88C0];
	v3 =	vadd.f32 v4, v3;
	v4 =	vmul.f32 v5, v5;
	v5 =	vsub.f32 v60, v8  }
0x85: {  	v8 =	vld [tilespmem:s15+$0x8C0]  }
0x86: {  	v61 =	vld [tilespmem:s15+$0x88D0];
	v3 =	vadd.f32 v4, v3;
	v4 =	vmul.f32 v5, v5;
	v5 =	vsub.f32 v11, v7  }
0x87: {  	v7 =	vld [tilespmem:s15+$0x8D0]  }
0x88: {  	v11 =	vld [tilespmem:s15+$0x88E0];
	v3 =	vadd.f32 v4, v3;
	v4 =	vmul.f32 v5, v5;
	v5 =	vsub.f32 v9, v6  }
0x89: {  	v6 =	vld [tilespmem:s15+$0x8E0]  }
0x8a: {  	v9 =	vld [tilespmem:s15+$0x88F0];
	v3 =	vadd.f32 v4, v3;
	v4 =	vmul.f32 v5, v5;
	v5 =	vsub.f32 v10, v8  }
0x8b: {  	v8 =	vld [tilespmem:s15+$0x8F0]  }
0x8c: {  	v10 =	vld [tilespmem:s15+$0x8C80];
	v3 =	vadd.f32 v4, v3;
	v4 =	vmul.f32 v5, v5;
	v5 =	vsub.f32 v61, v7  }
0x8d: {  	v7 =	vld [tilespmem:s15+$0xC80]  }
0x8e: {  	v62 =	vld [tilespmem:s15+$0x8C90];
	v3 =	vadd.f32 v4, v3;
	v4 =	vmul.f32 v5, v5;
	v5 =	vsub.f32 v11, v6  }
0x8f: {  	v6 =	vld [tilespmem:s15+$0xC90]  }
0x90: {  	v11 =	vld [tilespmem:s15+$0x8CA0];
	v3 =	vadd.f32 v4, v3;
	v4 =	vmul.f32 v5, v5;
	v5 =	vsub.f32 v9, v8  }
0x91: {  	v8 =	vld [tilespmem:s15+$0xCA0]  }
0x92: {  	v9 =	vld [tilespmem:s15+$0x8CB0];
	v3 =	vadd.f32 v4, v3;
	v4 =	vmul.f32 v5, v5;
	v5 =	vsub.f32 v10, v7  }
0x93: {  	v7 =	vld [tilespmem:s15+$0xCB0]  }
0x94: {  	v13 =	vld [tilespmem:s15+$0x8CC0];
	v6 =	vsub.f32 v62, v6;
	v4 =	vadd.f32 v4, v3;
	v5 =	vmul.f32 v5, v5  }
0x95: {  	v63 =	vld [tilespmem:s15+$0xCC0]  }
0x96: {  	v3 =	vld [tilespmem:s15+$0x8CD0];
	v6 =	vmul.f32 v6, v6;
	v8 =	vsub.f32 v11, v8;
	v10 =	vadd.f32 v5, v4  }
0x97: {  	v5 =	vld [tilespmem:s15+$0xCD0]  }
0x98: {  	v4 =	vld [tilespmem:s15+$0x8CE0];
	v8 =	vmul.f32 v8, v8;
	v11 =	vsub.f32 v9, v7;
	v10 =	vadd.f32 v6, v10  }
0x99: {  	s17 =	simm.s32 $0x200;
	s14 =	simm.s32 $0x80;
	v6 =	vld [tilespmem:s15+$0xCE0]  }
0x9a: {  	s13 =	sand.u32 $0x3000, s17;
	s16 =	sand.u32 $0x380, s14;
	v7 =	vld [tilespmem:s15+$0x8CF0];
	v9 =	vadd.f32 v8, v10;
	v10 =	vmul.f32 v11, v11;
	v11 =	vsub.f32 v13, v63  }
0x9b: {  	s13 =	sor.u32 s16, s13;
	v8 =	vld [tilespmem:s15+$0xCF0];
	s15 =	simm.s32 $0x400  }
.LBB2_2:
0x9c: {  	p0 =	sne.s32 s15, $0x3E00;
	v12 =	vld [tilespmem:s13+$0x8080];
	v9 =	vadd.f32 v10, v9;
	v10 =	vmul.f32 v11, v11;
	v3 =	vsub.f32 v3, v5  }
0x9d: {  	v5 =	vld [tilespmem:s13+$0x80]  }
0x9e: {  	v11 =	vld [tilespmem:s13+$0x8090];
	v9 =	vadd.f32 v10, v9;
	v3 =	vmul.f32 v3, v3;
	v4 =	vsub.f32 v4, v6  }
0x9f: {  	v6 =	vld [tilespmem:s13+$0x90]  }
0xa0: {  	v10 =	vld [tilespmem:s13+$0x80A0];
	v3 =	vadd.f32 v3, v9;
	v4 =	vmul.f32 v4, v4;
	v7 =	vsub.f32 v7, v8  }
0xa1: {  	v8 =	vld [tilespmem:s13+$0xA0]  }
0xa2: {  	v5 =	vsub.f32 v12, v5;
	v9 =	vld [tilespmem:s13+$0x80B0];
	v3 =	vadd.f32 v4, v3;
	v4 =	vmul.f32 v7, v7  }
0xa3: {  	v7 =	vld [tilespmem:s13+$0xB0]  }
0xa4: {  	v5 =	vmul.f32 v5, v5;
	v6 =	vsub.f32 v11, v6;
	v11 =	vld [tilespmem:s13+$0x80C0];
	v3 =	vadd.f32 v4, v3  }
0xa5: {  	v4 =	vld [tilespmem:s13+$0xC0]  }
0xa6: {  	v3 =	vadd.f32 v5, v3;
	v5 =	vmul.f32 v6, v6;
	v6 =	vsub.f32 v10, v8;
	v8 =	vld [tilespmem:s13+$0x80D0]  }
0xa7: {  	v10 =	vld [tilespmem:s13+$0xD0]  }
0xa8: {  	v3 =	vadd.f32 v5, v3;
	v5 =	vmul.f32 v6, v6;
	v6 =	vsub.f32 v9, v7;
	v7 =	vld [tilespmem:s13+$0x80E0]  }
0xa9: {  	v9 =	vld [tilespmem:s13+$0xE0]  }
0xaa: {  	v3 =	vadd.f32 v5, v3;
	v5 =	vmul.f32 v6, v6;
	v4 =	vsub.f32 v11, v4;
	v6 =	vld [tilespmem:s13+$0x80F0]  }
0xab: {  	v11 =	vld [tilespmem:s13+$0xF0]  }
0xac: {  	v3 =	vadd.f32 v5, v3;
	v4 =	vmul.f32 v4, v4;
	v5 =	vsub.f32 v8, v10;
	v8 =	vld [tilespmem:s13+$0x8480]  }
0xad: {  	v10 =	vld [tilespmem:s13+$0x480]  }
0xae: {  	v3 =	vadd.f32 v4, v3;
	v4 =	vmul.f32 v5, v5;
	v5 =	vsub.f32 v7, v9;
	v7 =	vld [tilespmem:s13+$0x8490]  }
0xaf: {  	v9 =	vld [tilespmem:s13+$0x490]  }
0xb0: {  	v3 =	vadd.f32 v4, v3;
	v4 =	vmul.f32 v5, v5;
	v5 =	vsub.f32 v6, v11;
	v6 =	vld [tilespmem:s13+$0x84A0]  }
0xb1: {  	v11 =	vld [tilespmem:s13+$0x4A0]  }
0xb2: {  	v3 =	vadd.f32 v4, v3;
	v4 =	vmul.f32 v5, v5;
	v5 =	vsub.f32 v8, v10;
	v8 =	vld [tilespmem:s13+$0x84B0]  }
0xb3: {  	v10 =	vld [tilespmem:s13+$0x4B0]  }
0xb4: {  	v3 =	vadd.f32 v4, v3;
	v4 =	vmul.f32 v5, v5;
	v5 =	vsub.f32 v7, v9;
	v7 =	vld [tilespmem:s13+$0x84C0]  }
0xb5: {  	v9 =	vld [tilespmem:s13+$0x4C0]  }
0xb6: {  	v3 =	vadd.f32 v4, v3;
	v4 =	vmul.f32 v5, v5;
	v5 =	vsub.f32 v6, v11;
	v6 =	vld [tilespmem:s13+$0x84D0]  }
0xb7: {  	v11 =	vld [tilespmem:s13+$0x4D0]  }
0xb8: {  	v3 =	vadd.f32 v4, v3;
	v4 =	vmul.f32 v5, v5;
	v5 =	vsub.f32 v8, v10;
	v8 =	vld [tilespmem:s13+$0x84E0]  }
0xb9: {  	v10 =	vld [tilespmem:s13+$0x4E0]  }
0xba: {  	v3 =	vadd.f32 v4, v3;
	v4 =	vmul.f32 v5, v5;
	v5 =	vsub.f32 v7, v9;
	v7 =	vld [tilespmem:s13+$0x84F0]  }
0xbb: {  	v9 =	vld [tilespmem:s13+$0x4F0]  }
0xbc: {  	v3 =	vadd.f32 v4, v3;
	v4 =	vmul.f32 v5, v5;
	v5 =	vsub.f32 v6, v11;
	v6 =	vld [tilespmem:s13+$0x8880]  }
0xbd: {  	v11 =	vld [tilespmem:s13+$0x880]  }
0xbe: {  	v3 =	vadd.f32 v4, v3;
	v4 =	vmul.f32 v5, v5;
	v5 =	vsub.f32 v8, v10;
	v8 =	vld [tilespmem:s13+$0x8890]  }
0xbf: {  	v10 =	vld [tilespmem:s13+$0x890]  }
0xc0: {  	v3 =	vadd.f32 v4, v3;
	v4 =	vmul.f32 v5, v5;
	v5 =	vsub.f32 v7, v9;
	v7 =	vld [tilespmem:s13+$0x88A0]  }
0xc1: {  	v9 =	vld [tilespmem:s13+$0x8A0]  }
0xc2: {  	v3 =	vadd.f32 v4, v3;
	v4 =	vmul.f32 v5, v5;
	v5 =	vsub.f32 v6, v11;
	v6 =	vld [tilespmem:s13+$0x88B0]  }
0xc3: {  	v11 =	vld [tilespmem:s13+$0x8B0]  }
0xc4: {  	v3 =	vadd.f32 v4, v3;
	v4 =	vmul.f32 v5, v5;
	v5 =	vsub.f32 v8, v10;
	v8 =	vld [tilespmem:s13+$0x88C0]  }
0xc5: {  	v10 =	vld [tilespmem:s13+$0x8C0]  }
0xc6: {  	v3 =	vadd.f32 v4, v3;
	v4 =	vmul.f32 v5, v5;
	v5 =	vsub.f32 v7, v9;
	v7 =	vld [tilespmem:s13+$0x88D0]  }
0xc7: {  	v9 =	vld [tilespmem:s13+$0x8D0]  }
0xc8: {  	v3 =	vadd.f32 v4, v3;
	v4 =	vmul.f32 v5, v5;
	v5 =	vsub.f32 v6, v11;
	v6 =	vld [tilespmem:s13+$0x88E0]  }
0xc9: {  	v11 =	vld [tilespmem:s13+$0x8E0]  }
0xca: {  	v3 =	vadd.f32 v4, v3;
	v4 =	vmul.f32 v5, v5;
	v5 =	vsub.f32 v8, v10;
	v8 =	vld [tilespmem:s13+$0x88F0]  }
0xcb: {  	v10 =	vld [tilespmem:s13+$0x8F0]  }
0xcc: {  	v3 =	vadd.f32 v4, v3;
	v4 =	vmul.f32 v5, v5;
	v5 =	vsub.f32 v7, v9;
	v7 =	vld [tilespmem:s13+$0x8C80]  }
0xcd: {  	v9 =	vld [tilespmem:s13+$0xC80]  }
0xce: {  	v3 =	vadd.f32 v4, v3;
	v4 =	vmul.f32 v5, v5;
	v5 =	vsub.f32 v6, v11;
	v6 =	vld [tilespmem:s13+$0x8C90]  }
0xcf: {  	v11 =	vld [tilespmem:s13+$0xC90]  }
0xd0: {  	v3 =	vadd.f32 v4, v3;
	v4 =	vmul.f32 v5, v5;
	v5 =	vsub.f32 v8, v10;
	v8 =	vld [tilespmem:s13+$0x8CA0]  }
0xd1: {  	v10 =	vld [tilespmem:s13+$0xCA0]  }
0xd2: {  	v3 =	vadd.f32 v4, v3;
	v4 =	vmul.f32 v5, v5;
	v5 =	vsub.f32 v7, v9;
	v7 =	vld [tilespmem:s13+$0x8CB0]  }
0xd3: {  	v9 =	vld [tilespmem:s13+$0xCB0]  }
0xd4: {  	v3 =	vadd.f32 v4, v3;
	v4 =	vmul.f32 v5, v5;
	v5 =	vsub.f32 v6, v11;
	v11 =	vld [tilespmem:s13+$0x8CC0]  }
0xd5: {  	v12 =	vld [tilespmem:s13+$0xCC0]  }
0xd6: {  	v4 =	vadd.f32 v4, v3;
	v6 =	vmul.f32 v5, v5;
	v8 =	vsub.f32 v8, v10;
	v3 =	vld [tilespmem:s13+$0x8CD0]  }
.Ltmp0:
0xd7: {  	v5 =	vld [tilespmem:s13+$0xCD0];
	(pc) =	sbr.rel @p0 .LBB2_2-.Ltmp0, $4  }
0xd8: {  	v10 =	vadd.f32 v6, v4;
	v8 =	vmul.f32 v8, v8;
	v7 =	vsub.f32 v7, v9;
	v4 =	vld [tilespmem:s13+$0x8CE0]  }
0xd9: {  	s14 =	sadd.s32 $0x80, s14;
	v6 =	vld [tilespmem:s13+$0xCE0]  }
0xda: {  	s16 =	sand.u32 $0x3000, s15;
	s17 =	sand.u32 $0x380, s14;
	v9 =	vadd.f32 v8, v10;
	v10 =	vmul.f32 v7, v7;
	v11 =	vsub.f32 v11, v12;
	v7 =	vld [tilespmem:s13+$0x8CF0]  }
0xdb: {  	s15 =	sadd.s32 $0x200, s15;
	v8 =	vld [tilespmem:s13+$0xCF0];
	s13 =	sor.u32 s17, s16  }
0xdc: {  	v12 =	vld [tilespmem:s13+$0x8080]  }
0xdd: {  	v13 =	vld [tilespmem:s13+$0x80]  }
0xde: {  	v14 =	vld [tilespmem:s13+$0x8090]  }
0xdf: {  	v15 =	vld [tilespmem:s13+$0x90]  }
0xe0: {  	v16 =	vld [tilespmem:s13+$0x80A0]  }
0xe1: {  	v17 =	vld [tilespmem:s13+$0xA0];
	v9 =	vadd.f32 v10, v9;
	v10 =	vmul.f32 v11, v11;
	v3 =	vsub.f32 v3, v5  }
0xe2: {  	v18 =	vld [tilespmem:s13+$0x80B0]  }
0xe3: {  	v5 =	vld [tilespmem:s13+$0xB0];
	v9 =	vadd.f32 v10, v9;
	v3 =	vmul.f32 v3, v3;
	v4 =	vsub.f32 v4, v6  }
0xe4: {  	v11 =	vld [tilespmem:s13+$0x80C0]  }
0xe5: {  	v25 =	vld [tilespmem:s13+$0x80F0];
	v3 =	vadd.f32 v3, v9;
	v4 =	vmul.f32 v4, v4;
	v7 =	vsub.f32 v7, v8  }
0xe6: {  	v26 =	vld [tilespmem:s13+$0x8480]  }
0xe7: {  	v29 =	vld [tilespmem:s13+$0x480];
	v12 =	vsub.f32 v12, v13;
	v3 =	vadd.f32 v4, v3;
	v4 =	vmul.f32 v7, v7  }
0xe8: {  	v30 =	vld [tilespmem:s13+$0x8490]  }
0xe9: {  	v32 =	vld [tilespmem:s13+$0x490];
	v14 =	vsub.f32 v14, v15;
	v12 =	vmul.f32 v12, v12;
	v3 =	vadd.f32 v4, v3  }
0xea: {  	v6 =	vld [tilespmem:s13+$0xC0]  }
0xeb: {  	v10 =	vld [tilespmem:s13+$0x80D0];
	v28 =	vsub.f32 v16, v17;
	v27 =	vmul.f32 v14, v14;
	v3 =	vadd.f32 v12, v3  }
0xec: {  	v8 =	vld [tilespmem:s13+$0xD0]  }
0xed: {  	v9 =	vld [tilespmem:s13+$0x80E0];
	v5 =	vsub.f32 v18, v5;
	v31 =	vmul.f32 v28, v28;
	v3 =	vadd.f32 v27, v3  }
0xee: {  	v7 =	vld [tilespmem:s13+$0xE0]  }
0xef: {  	v33 =	vld [tilespmem:s13+$0x84A0];
	v5 =	vmul.f32 v5, v5;
	v6 =	vsub.f32 v11, v6;
	v3 =	vadd.f32 v31, v3  }
0xf0: {  	v4 =	vld [tilespmem:s13+$0xF0]  }
0xf1: {  	v34 =	vld [tilespmem:s13+$0x84B0];
	v3 =	vadd.f32 v5, v3;
	v5 =	vmul.f32 v6, v6;
	v6 =	vsub.f32 v10, v8  }
0xf2: {  	v35 =	vld [tilespmem:s13+$0x84E0]  }
0xf3: {  	v36 =	vld [tilespmem:s13+$0x4E0];
	v3 =	vadd.f32 v5, v3;
	v5 =	vmul.f32 v6, v6;
	v6 =	vsub.f32 v9, v7  }
0xf4: {  	v37 =	vld [tilespmem:s13+$0x84F0]  }
0xf5: {  	v38 =	vld [tilespmem:s13+$0x4F0];
	v4 =	vsub.f32 v25, v4;
	v3 =	vadd.f32 v5, v3;
	v5 =	vmul.f32 v6, v6  }
0xf6: {  	v11 =	vld [tilespmem:s13+$0x4A0]  }
0xf7: {  	v39 =	vld [tilespmem:s13+$0x8880];
	v4 =	vmul.f32 v4, v4;
	v3 =	vadd.f32 v5, v3;
	v5 =	vsub.f32 v26, v29  }
0xf8: {  	v8 =	vld [tilespmem:s13+$0x4B0]  }
0xf9: {  	v10 =	vld [tilespmem:s13+$0x84C0];
	v3 =	vadd.f32 v4, v3;
	v4 =	vmul.f32 v5, v5;
	v5 =	vsub.f32 v30, v32  }
0xfa: {  	v7 =	vld [tilespmem:s13+$0x4C0]  }
0xfb: {  	v9 =	vld [tilespmem:s13+$0x84D0];
	v3 =	vadd.f32 v4, v3;
	v4 =	vmul.f32 v5, v5;
	v5 =	vsub.f32 v33, v11  }
0xfc: {  	v6 =	vld [tilespmem:s13+$0x4D0]  }
0xfd: {  	v40 =	vld [tilespmem:s13+$0x8890];
	v3 =	vadd.f32 v4, v3;
	v4 =	vmul.f32 v5, v5;
	v5 =	vsub.f32 v34, v8  }
0xfe: {  	v41 =	vld [tilespmem:s13+$0x88A0]  }
0xff: {  	v42 =	vld [tilespmem:s13+$0x8C0];
	v3 =	vadd.f32 v4, v3;
	v4 =	vmul.f32 v5, v5;
	v5 =	vsub.f32 v10, v7  }
0x100: {  	v43 =	vld [tilespmem:s13+$0x88D0]  }
0x101: {  	v44 =	vld [tilespmem:s13+$0x8D0];
	v3 =	vadd.f32 v4, v3;
	v4 =	vmul.f32 v5, v5;
	v5 =	vsub.f32 v9, v6  }
0x102: {  	v11 =	vld [tilespmem:s13+$0x880]  }
0x103: {  	v45 =	vld [tilespmem:s13+$0x88E0];
	v3 =	vadd.f32 v4, v3;
	v4 =	vmul.f32 v5, v5;
	v5 =	vsub.f32 v35, v36  }
0x104: {  	v8 =	vld [tilespmem:s13+$0x890]  }
0x105: {  	v46 =	vld [tilespmem:s13+$0x88F0];
	v3 =	vadd.f32 v4, v3;
	v4 =	vmul.f32 v5, v5;
	v5 =	vsub.f32 v37, v38  }
0x106: {  	v7 =	vld [tilespmem:s13+$0x8A0]  }
0x107: {  	v10 =	vld [tilespmem:s13+$0x88B0];
	v3 =	vadd.f32 v4, v3;
	v4 =	vmul.f32 v5, v5;
	v5 =	vsub.f32 v39, v11  }
0x108: {  	v6 =	vld [tilespmem:s13+$0x8B0]  }
0x109: {  	v47 =	vld [tilespmem:s13+$0x8C80];
	v3 =	vadd.f32 v4, v3;
	v4 =	vmul.f32 v5, v5;
	v5 =	vsub.f32 v40, v8  }
0x10a: {  	v9 =	vld [tilespmem:s13+$0x88C0]  }
0x10b: {  	v48 =	vld [tilespmem:s13+$0x8C90];
	v3 =	vadd.f32 v4, v3;
	v4 =	vmul.f32 v5, v5;
	v5 =	vsub.f32 v41, v7  }
0x10c: {  	v49 =	vld [tilespmem:s13+$0x8CB0]  }
0x10d: {  	v50 =	vld [tilespmem:s13+$0xCB0];
	v3 =	vadd.f32 v4, v3;
	v4 =	vmul.f32 v5, v5;
	v5 =	vsub.f32 v10, v6  }
0x10e: {  	v11 =	vld [tilespmem:s13+$0x8E0]  }
0x10f: {  	v51 =	vld [tilespmem:s13+$0x8CC0];
	v3 =	vadd.f32 v4, v3;
	v4 =	vmul.f32 v5, v5;
	v5 =	vsub.f32 v9, v42  }
0x110: {  	v8 =	vld [tilespmem:s13+$0x8F0]  }
0x111: {  	v52 =	vld [tilespmem:s13+$0x8CD0];
	v3 =	vadd.f32 v4, v3;
	v4 =	vmul.f32 v5, v5;
	v5 =	vsub.f32 v43, v44  }
0x112: {  	v7 =	vld [tilespmem:s13+$0xC80]  }
0x113: {  	v53 =	vld [tilespmem:s13+$0x8CE0];
	v3 =	vadd.f32 v4, v3;
	v4 =	vmul.f32 v5, v5;
	v5 =	vsub.f32 v45, v11  }
0x114: {  	v6 =	vld [tilespmem:s13+$0xC90]  }
0x115: {  	v10 =	vld [tilespmem:s13+$0x8CA0];
	v3 =	vadd.f32 v4, v3;
	v4 =	vmul.f32 v5, v5;
	v5 =	vsub.f32 v46, v8  }
0x116: {  	v9 =	vld [tilespmem:s13+$0xCA0]  }
0x117: {  	v54 =	vld [tilespmem:s13+$0x8CF0];
	v3 =	vadd.f32 v4, v3;
	v4 =	vmul.f32 v5, v5;
	v5 =	vsub.f32 v47, v7  }
0x118: {  	v11 =	vld [tilespmem:s13+$0xCC0]  }
0x119: {  	v8 =	vld [tilespmem:s13+$0xCD0];
	v3 =	vadd.f32 v4, v3;
	v4 =	vmul.f32 v5, v5;
	v5 =	vsub.f32 v48, v6  }
0x11a: {  	v7 =	vld [tilespmem:s13+$0xCE0]  }
0x11b: {  	v6 =	vld [tilespmem:s13+$0xCF0];
	_ =	swait.ge [sflag:s0], $0x4000;
	v3 =	vadd.f32 v4, v3;
	v4 =	vsub.f32 v10, v9;
	v5 =	vmul.f32 v5, v5  }
0x11c: {  	[sflag:s0] =	ssyncset.done $0x0  }
0x11d: {  	[sflag:s0] =	ssyncadd.s32 $0xFFFFC000;
	v3 =	vadd.f32 v5, v3;
	v5 =	vsub.f32 v49, v50;
	v4 =	vmul.f32 v4, v4  }
0x11e: {  	s16 =	simm.s32 $0x0;
	_ =	swait.ge [sflag:s1], $0x4000  }
0x11f: {  	s14 =	sand.u32 $0x3000, s16;
	s13 =	sand.u32 $0x380, s16;
	[sflag:s1] =	ssyncset.done $0x0;
	v3 =	vadd.f32 v4, v3;
	v4 =	vmul.f32 v5, v5;
	v5 =	vsub.f32 v51, v11  }
0x120: {  	s16 =	sor.u32 s13, s14;
	[sflag:s1] =	ssyncadd.s32 $0xFFFFC000  }
0x121: {  	v9 =	vld [tilespmem:s16+$0xC080];
	v3 =	vadd.f32 v4, v3;
	v4 =	vmul.f32 v5, v5;
	v5 =	vsub.f32 v52, v8  }
0x122: {  	v8 =	vld [tilespmem:s16+$0x4080]  }
0x123: {  	v10 =	vld [tilespmem:s16+$0xC090];
	v3 =	vadd.f32 v4, v3;
	v4 =	vmul.f32 v5, v5;
	v5 =	vsub.f32 v53, v7  }
0x124: {  	v7 =	vld [tilespmem:s16+$0x4090]  }
0x125: {  	v11 =	vld [tilespmem:s16+$0xC0A0];
	v3 =	vadd.f32 v4, v3;
	v4 =	vmul.f32 v5, v5;
	v5 =	vsub.f32 v54, v6  }
0x126: {  	v6 =	vld [tilespmem:s16+$0x40A0]  }
0x127: {  	v55 =	vld [tilespmem:s16+$0xC0B0];
	v3 =	vadd.f32 v4, v3;
	v4 =	vmul.f32 v5, v5;
	v5 =	vsub.f32 v9, v8  }
0x128: {  	v8 =	vld [tilespmem:s16+$0x40B0]  }
0x129: {  	v9 =	vld [tilespmem:s16+$0xC0C0];
	v3 =	vadd.f32 v4, v3;
	v4 =	vmul.f32 v5, v5;
	v5 =	vsub.f32 v10, v7  }
0x12a: {  	v7 =	vld [tilespmem:s16+$0x40C0]  }
0x12b: {  	v10 =	vld [tilespmem:s16+$0xC0D0];
	v3 =	vadd.f32 v4, v3;
	v4 =	vmul.f32 v5, v5;
	v5 =	vsub.f32 v11, v6  }
0x12c: {  	v6 =	vld [tilespmem:s16+$0x40D0]  }
0x12d: {  	v11 =	vld [tilespmem:s16+$0xC0E0];
	v3 =	vadd.f32 v4, v3;
	v4 =	vmul.f32 v5, v5;
	v5 =	vsub.f32 v55, v8  }
0x12e: {  	v8 =	vld [tilespmem:s16+$0x40E0]  }
0x12f: {  	v56 =	vld [tilespmem:s16+$0xC0F0];
	v3 =	vadd.f32 v4, v3;
	v4 =	vmul.f32 v5, v5;
	v5 =	vsub.f32 v9, v7  }
0x130: {  	v7 =	vld [tilespmem:s16+$0x40F0]  }
0x131: {  	v9 =	vld [tilespmem:s16+$0xC480];
	v3 =	vadd.f32 v4, v3;
	v4 =	vmul.f32 v5, v5;
	v5 =	vsub.f32 v10, v6  }
0x132: {  	v6 =	vld [tilespmem:s16+$0x4480]  }
0x133: {  	v10 =	vld [tilespmem:s16+$0xC490];
	v3 =	vadd.f32 v4, v3;
	v4 =	vmul.f32 v5, v5;
	v5 =	vsub.f32 v11, v8  }
0x134: {  	v8 =	vld [tilespmem:s16+$0x4490]  }
0x135: {  	v11 =	vld [tilespmem:s16+$0xC4A0];
	v3 =	vadd.f32 v4, v3;
	v4 =	vmul.f32 v5, v5;
	v5 =	vsub.f32 v56, v7  }
0x136: {  	v7 =	vld [tilespmem:s16+$0x44A0]  }
0x137: {  	v57 =	vld [tilespmem:s16+$0xC4B0];
	v3 =	vadd.f32 v4, v3;
	v4 =	vmul.f32 v5, v5;
	v5 =	vsub.f32 v9, v6  }
0x138: {  	v6 =	vld [tilespmem:s16+$0x44B0]  }
0x139: {  	v9 =	vld [tilespmem:s16+$0xC4C0];
	v3 =	vadd.f32 v4, v3;
	v4 =	vmul.f32 v5, v5;
	v5 =	vsub.f32 v10, v8  }
0x13a: {  	v8 =	vld [tilespmem:s16+$0x44C0]  }
0x13b: {  	v10 =	vld [tilespmem:s16+$0xC4D0];
	v3 =	vadd.f32 v4, v3;
	v4 =	vmul.f32 v5, v5;
	v5 =	vsub.f32 v11, v7  }
0x13c: {  	v7 =	vld [tilespmem:s16+$0x44D0]  }
0x13d: {  	v11 =	vld [tilespmem:s16+$0xC4E0];
	v3 =	vadd.f32 v4, v3;
	v4 =	vmul.f32 v5, v5;
	v5 =	vsub.f32 v57, v6  }
0x13e: {  	v6 =	vld [tilespmem:s16+$0x44E0]  }
0x13f: {  	v58 =	vld [tilespmem:s16+$0xC4F0];
	v3 =	vadd.f32 v4, v3;
	v4 =	vmul.f32 v5, v5;
	v5 =	vsub.f32 v9, v8  }
0x140: {  	v8 =	vld [tilespmem:s16+$0x44F0]  }
0x141: {  	v9 =	vld [tilespmem:s16+$0xC880];
	v3 =	vadd.f32 v4, v3;
	v4 =	vmul.f32 v5, v5;
	v5 =	vsub.f32 v10, v7  }
0x142: {  	v7 =	vld [tilespmem:s16+$0x4880]  }
0x143: {  	v10 =	vld [tilespmem:s16+$0xC890];
	v3 =	vadd.f32 v4, v3;
	v4 =	vmul.f32 v5, v5;
	v5 =	vsub.f32 v11, v6  }
0x144: {  	v6 =	vld [tilespmem:s16+$0x4890]  }
0x145: {  	v11 =	vld [tilespmem:s16+$0xC8A0];
	v3 =	vadd.f32 v4, v3;
	v4 =	vmul.f32 v5, v5;
	v5 =	vsub.f32 v58, v8  }
0x146: {  	v8 =	vld [tilespmem:s16+$0x48A0]  }
0x147: {  	v59 =	vld [tilespmem:s16+$0xC8B0];
	v3 =	vadd.f32 v4, v3;
	v4 =	vmul.f32 v5, v5;
	v5 =	vsub.f32 v9, v7  }
0x148: {  	v7 =	vld [tilespmem:s16+$0x48B0]  }
0x149: {  	v9 =	vld [tilespmem:s16+$0xC8C0];
	v3 =	vadd.f32 v4, v3;
	v4 =	vmul.f32 v5, v5;
	v5 =	vsub.f32 v10, v6  }
0x14a: {  	v6 =	vld [tilespmem:s16+$0x48C0]  }
0x14b: {  	v10 =	vld [tilespmem:s16+$0xC8D0];
	v3 =	vadd.f32 v4, v3;
	v4 =	vmul.f32 v5, v5;
	v5 =	vsub.f32 v11, v8  }
0x14c: {  	v8 =	vld [tilespmem:s16+$0x48D0]  }
0x14d: {  	v11 =	vld [tilespmem:s16+$0xC8E0];
	v3 =	vadd.f32 v4, v3;
	v4 =	vmul.f32 v5, v5;
	v5 =	vsub.f32 v59, v7  }
0x14e: {  	v7 =	vld [tilespmem:s16+$0x48E0]  }
0x14f: {  	v60 =	vld [tilespmem:s16+$0xC8F0];
	v3 =	vadd.f32 v4, v3;
	v4 =	vmul.f32 v5, v5;
	v5 =	vsub.f32 v9, v6  }
0x150: {  	v6 =	vld [tilespmem:s16+$0x48F0]  }
0x151: {  	v9 =	vld [tilespmem:s16+$0xCC80];
	v3 =	vadd.f32 v4, v3;
	v4 =	vmul.f32 v5, v5;
	v5 =	vsub.f32 v10, v8  }
0x152: {  	v8 =	vld [tilespmem:s16+$0x4C80]  }
0x153: {  	v10 =	vld [tilespmem:s16+$0xCC90];
	v3 =	vadd.f32 v4, v3;
	v4 =	vmul.f32 v5, v5;
	v5 =	vsub.f32 v11, v7  }
0x154: {  	v7 =	vld [tilespmem:s16+$0x4C90]  }
0x155: {  	v11 =	vld [tilespmem:s16+$0xCCA0];
	v3 =	vadd.f32 v4, v3;
	v4 =	vmul.f32 v5, v5;
	v5 =	vsub.f32 v60, v6  }
0x156: {  	v6 =	vld [tilespmem:s16+$0x4CA0]  }
0x157: {  	v61 =	vld [tilespmem:s16+$0xCCB0];
	v3 =	vadd.f32 v4, v3;
	v4 =	vmul.f32 v5, v5;
	v5 =	vsub.f32 v9, v8  }
0x158: {  	v8 =	vld [tilespmem:s16+$0x4CB0]  }
0x159: {  	v62 =	vld [tilespmem:s16+$0xCCC0];
	v7 =	vsub.f32 v10, v7;
	v4 =	vadd.f32 v4, v3;
	v5 =	vmul.f32 v5, v5  }
0x15a: {  	v63 =	vld [tilespmem:s16+$0x4CC0]  }
0x15b: {  	v3 =	vld [tilespmem:s16+$0xCCD0];
	v7 =	vmul.f32 v7, v7;
	v6 =	vsub.f32 v11, v6;
	v9 =	vadd.f32 v5, v4  }
0x15c: {  	v5 =	vld [tilespmem:s16+$0x4CD0]  }
0x15d: {  	v4 =	vld [tilespmem:s16+$0xCCE0];
	v10 =	vmul.f32 v6, v6;
	v8 =	vsub.f32 v61, v8;
	v9 =	vadd.f32 v7, v9  }
0x15e: {  	s17 =	simm.s32 $0x200;
	s14 =	simm.s32 $0x80;
	v6 =	vld [tilespmem:s16+$0x4CE0]  }
0x15f: {  	s13 =	sand.u32 $0x3000, s17;
	s15 =	sand.u32 $0x380, s14;
	v11 =	vsub.f32 v62, v63;
	v7 =	vld [tilespmem:s16+$0xCCF0];
	v9 =	vadd.f32 v10, v9;
	v10 =	vmul.f32 v8, v8  }
0x160: {  	s13 =	sor.u32 s15, s13;
	s15 =	simm.s32 $0x400;
	v8 =	vld [tilespmem:s16+$0x4CF0]  }
.LBB2_4:
0x161: {  	p0 =	sne.s32 s15, $0x3E00;
	v12 =	vld [tilespmem:s13+$0xC080];
	v9 =	vadd.f32 v10, v9;
	v10 =	vmul.f32 v11, v11;
	v3 =	vsub.f32 v3, v5  }
0x162: {  	v5 =	vld [tilespmem:s13+$0x4080]  }
0x163: {  	v11 =	vld [tilespmem:s13+$0xC090];
	v9 =	vadd.f32 v10, v9;
	v3 =	vmul.f32 v3, v3;
	v4 =	vsub.f32 v4, v6  }
0x164: {  	v6 =	vld [tilespmem:s13+$0x4090]  }
0x165: {  	v10 =	vld [tilespmem:s13+$0xC0A0];
	v3 =	vadd.f32 v3, v9;
	v4 =	vmul.f32 v4, v4;
	v7 =	vsub.f32 v7, v8  }
0x166: {  	v8 =	vld [tilespmem:s13+$0x40A0]  }
0x167: {  	v5 =	vsub.f32 v12, v5;
	v9 =	vld [tilespmem:s13+$0xC0B0];
	v3 =	vadd.f32 v4, v3;
	v4 =	vmul.f32 v7, v7  }
0x168: {  	v7 =	vld [tilespmem:s13+$0x40B0]  }
0x169: {  	v5 =	vmul.f32 v5, v5;
	v6 =	vsub.f32 v11, v6;
	v11 =	vld [tilespmem:s13+$0xC0C0];
	v3 =	vadd.f32 v4, v3  }
0x16a: {  	v4 =	vld [tilespmem:s13+$0x40C0]  }
0x16b: {  	v3 =	vadd.f32 v5, v3;
	v5 =	vmul.f32 v6, v6;
	v6 =	vsub.f32 v10, v8;
	v8 =	vld [tilespmem:s13+$0xC0D0]  }
0x16c: {  	v10 =	vld [tilespmem:s13+$0x40D0]  }
0x16d: {  	v3 =	vadd.f32 v5, v3;
	v5 =	vmul.f32 v6, v6;
	v6 =	vsub.f32 v9, v7;
	v7 =	vld [tilespmem:s13+$0xC0E0]  }
0x16e: {  	v9 =	vld [tilespmem:s13+$0x40E0]  }
0x16f: {  	v3 =	vadd.f32 v5, v3;
	v5 =	vmul.f32 v6, v6;
	v4 =	vsub.f32 v11, v4;
	v6 =	vld [tilespmem:s13+$0xC0F0]  }
0x170: {  	v11 =	vld [tilespmem:s13+$0x40F0]  }
0x171: {  	v3 =	vadd.f32 v5, v3;
	v4 =	vmul.f32 v4, v4;
	v5 =	vsub.f32 v8, v10;
	v8 =	vld [tilespmem:s13+$0xC480]  }
0x172: {  	v10 =	vld [tilespmem:s13+$0x4480]  }
0x173: {  	v3 =	vadd.f32 v4, v3;
	v4 =	vmul.f32 v5, v5;
	v5 =	vsub.f32 v7, v9;
	v7 =	vld [tilespmem:s13+$0xC490]  }
0x174: {  	v9 =	vld [tilespmem:s13+$0x4490]  }
0x175: {  	v3 =	vadd.f32 v4, v3;
	v4 =	vmul.f32 v5, v5;
	v5 =	vsub.f32 v6, v11;
	v6 =	vld [tilespmem:s13+$0xC4A0]  }
0x176: {  	v11 =	vld [tilespmem:s13+$0x44A0]  }
0x177: {  	v3 =	vadd.f32 v4, v3;
	v4 =	vmul.f32 v5, v5;
	v5 =	vsub.f32 v8, v10;
	v8 =	vld [tilespmem:s13+$0xC4B0]  }
0x178: {  	v10 =	vld [tilespmem:s13+$0x44B0]  }
0x179: {  	v3 =	vadd.f32 v4, v3;
	v4 =	vmul.f32 v5, v5;
	v5 =	vsub.f32 v7, v9;
	v7 =	vld [tilespmem:s13+$0xC4C0]  }
0x17a: {  	v9 =	vld [tilespmem:s13+$0x44C0]  }
0x17b: {  	v3 =	vadd.f32 v4, v3;
	v4 =	vmul.f32 v5, v5;
	v5 =	vsub.f32 v6, v11;
	v6 =	vld [tilespmem:s13+$0xC4D0]  }
0x17c: {  	v11 =	vld [tilespmem:s13+$0x44D0]  }
0x17d: {  	v3 =	vadd.f32 v4, v3;
	v4 =	vmul.f32 v5, v5;
	v5 =	vsub.f32 v8, v10;
	v8 =	vld [tilespmem:s13+$0xC4E0]  }
0x17e: {  	v10 =	vld [tilespmem:s13+$0x44E0]  }
0x17f: {  	v3 =	vadd.f32 v4, v3;
	v4 =	vmul.f32 v5, v5;
	v5 =	vsub.f32 v7, v9;
	v7 =	vld [tilespmem:s13+$0xC4F0]  }
0x180: {  	v9 =	vld [tilespmem:s13+$0x44F0]  }
0x181: {  	v3 =	vadd.f32 v4, v3;
	v4 =	vmul.f32 v5, v5;
	v5 =	vsub.f32 v6, v11;
	v6 =	vld [tilespmem:s13+$0xC880]  }
0x182: {  	v11 =	vld [tilespmem:s13+$0x4880]  }
0x183: {  	v3 =	vadd.f32 v4, v3;
	v4 =	vmul.f32 v5, v5;
	v5 =	vsub.f32 v8, v10;
	v8 =	vld [tilespmem:s13+$0xC890]  }
0x184: {  	v10 =	vld [tilespmem:s13+$0x4890]  }
0x185: {  	v3 =	vadd.f32 v4, v3;
	v4 =	vmul.f32 v5, v5;
	v5 =	vsub.f32 v7, v9;
	v7 =	vld [tilespmem:s13+$0xC8A0]  }
0x186: {  	v9 =	vld [tilespmem:s13+$0x48A0]  }
0x187: {  	v3 =	vadd.f32 v4, v3;
	v4 =	vmul.f32 v5, v5;
	v5 =	vsub.f32 v6, v11;
	v6 =	vld [tilespmem:s13+$0xC8B0]  }
0x188: {  	v11 =	vld [tilespmem:s13+$0x48B0]  }
0x189: {  	v3 =	vadd.f32 v4, v3;
	v4 =	vmul.f32 v5, v5;
	v5 =	vsub.f32 v8, v10;
	v8 =	vld [tilespmem:s13+$0xC8C0]  }
0x18a: {  	v10 =	vld [tilespmem:s13+$0x48C0]  }
0x18b: {  	v3 =	vadd.f32 v4, v3;
	v4 =	vmul.f32 v5, v5;
	v5 =	vsub.f32 v7, v9;
	v7 =	vld [tilespmem:s13+$0xC8D0]  }
0x18c: {  	v9 =	vld [tilespmem:s13+$0x48D0]  }
0x18d: {  	v3 =	vadd.f32 v4, v3;
	v4 =	vmul.f32 v5, v5;
	v5 =	vsub.f32 v6, v11;
	v6 =	vld [tilespmem:s13+$0xC8E0]  }
0x18e: {  	v11 =	vld [tilespmem:s13+$0x48E0]  }
0x18f: {  	v3 =	vadd.f32 v4, v3;
	v4 =	vmul.f32 v5, v5;
	v5 =	vsub.f32 v8, v10;
	v8 =	vld [tilespmem:s13+$0xC8F0]  }
0x190: {  	v10 =	vld [tilespmem:s13+$0x48F0]  }
0x191: {  	v3 =	vadd.f32 v4, v3;
	v4 =	vmul.f32 v5, v5;
	v5 =	vsub.f32 v7, v9;
	v7 =	vld [tilespmem:s13+$0xCC80]  }
0x192: {  	v9 =	vld [tilespmem:s13+$0x4C80]  }
0x193: {  	v3 =	vadd.f32 v4, v3;
	v4 =	vmul.f32 v5, v5;
	v5 =	vsub.f32 v6, v11;
	v6 =	vld [tilespmem:s13+$0xCC90]  }
0x194: {  	v11 =	vld [tilespmem:s13+$0x4C90]  }
0x195: {  	v3 =	vadd.f32 v4, v3;
	v4 =	vmul.f32 v5, v5;
	v5 =	vsub.f32 v8, v10;
	v8 =	vld [tilespmem:s13+$0xCCA0]  }
0x196: {  	v10 =	vld [tilespmem:s13+$0x4CA0]  }
0x197: {  	v3 =	vadd.f32 v4, v3;
	v4 =	vmul.f32 v5, v5;
	v5 =	vsub.f32 v7, v9;
	v7 =	vld [tilespmem:s13+$0xCCB0]  }
0x198: {  	v9 =	vld [tilespmem:s13+$0x4CB0]  }
0x199: {  	v3 =	vadd.f32 v4, v3;
	v4 =	vmul.f32 v5, v5;
	v5 =	vsub.f32 v6, v11;
	v11 =	vld [tilespmem:s13+$0xCCC0]  }
0x19a: {  	v12 =	vld [tilespmem:s13+$0x4CC0]  }
0x19b: {  	v4 =	vadd.f32 v4, v3;
	v6 =	vmul.f32 v5, v5;
	v8 =	vsub.f32 v8, v10;
	v3 =	vld [tilespmem:s13+$0xCCD0]  }
.Ltmp1:
0x19c: {  	v5 =	vld [tilespmem:s13+$0x4CD0];
	(pc) =	sbr.rel @p0 .LBB2_4-.Ltmp1, $4  }
0x19d: {  	v10 =	vadd.f32 v6, v4;
	v8 =	vmul.f32 v8, v8;
	v7 =	vsub.f32 v7, v9;
	v4 =	vld [tilespmem:s13+$0xCCE0]  }
0x19e: {  	s14 =	sadd.s32 $0x80, s14;
	v6 =	vld [tilespmem:s13+$0x4CE0]  }
0x19f: {  	s16 =	sand.u32 $0x3000, s15;
	s17 =	sand.u32 $0x380, s14;
	v9 =	vadd.f32 v8, v10;
	v10 =	vmul.f32 v7, v7;
	v11 =	vsub.f32 v11, v12;
	v7 =	vld [tilespmem:s13+$0xCCF0]  }
0x1a0: {  	s15 =	sadd.s32 $0x200, s15;
	v8 =	vld [tilespmem:s13+$0x4CF0];
	s13 =	sor.u32 s17, s16  }
0x1a1: {  	v12 =	vld [tilespmem:s13+$0xC080];
	v9 =	vadd.f32 v10, v9;
	v44 =	vmul.f32 v11, v11;
	v3 =	vsub.f32 v3, v5  }
0x1a2: {  	v45 =	vld [tilespmem:s13+$0x4080]  }
0x1a3: {  	v46 =	vld [tilespmem:s13+$0xC090];
	v9 =	vadd.f32 v44, v9;
	v3 =	vmul.f32 v3, v3;
	v4 =	vsub.f32 v4, v6  }
0x1a4: {  	v47 =	vld [tilespmem:s13+$0x4090]  }
0x1a5: {  	v48 =	vld [tilespmem:s13+$0xC0A0];
	v3 =	vadd.f32 v3, v9;
	v4 =	vmul.f32 v4, v4;
	v7 =	vsub.f32 v7, v8  }
0x1a6: {  	v49 =	vld [tilespmem:s13+$0x40A0]  }
0x1a7: {  	v50 =	vld [tilespmem:s13+$0xC0B0];
	v5 =	vsub.f32 v12, v45;
	v3 =	vadd.f32 v4, v3;
	v51 =	vmul.f32 v7, v7  }
0x1a8: {  	v52 =	vld [tilespmem:s13+$0x40B0]  }
0x1a9: {  	v53 =	vld [tilespmem:s13+$0xC0C0];
	v6 =	vsub.f32 v46, v47;
	v5 =	vmul.f32 v5, v5;
	v3 =	vadd.f32 v51, v3  }
0x1aa: {  	v54 =	vld [tilespmem:s13+$0x40C0]  }
0x1ab: {  	v57 =	vld [tilespmem:s13+$0xC0D0];
	v56 =	vsub.f32 v48, v49;
	v55 =	vmul.f32 v6, v6;
	v3 =	vadd.f32 v5, v3  }
0x1ac: {  	v58 =	vld [tilespmem:s13+$0x40D0]  }
0x1ad: {  	v61 =	vld [tilespmem:s13+$0xC0E0];
	v60 =	vsub.f32 v50, v52;
	v59 =	vmul.f32 v56, v56;
	v3 =	vadd.f32 v55, v3  }
0x1ae: {  	v62 =	vld [tilespmem:s13+$0x40E0]  }
0x1af: {  	v13 =	vld [tilespmem:s13+$0x40F0];
	v4 =	vsub.f32 v53, v54;
	v63 =	vmul.f32 v60, v60;
	v3 =	vadd.f32 v59, v3  }
0x1b0: {  	v12 =	vld [tilespmem:s13+$0xC0F0]  }
0x1b1: {  	v15 =	vld [tilespmem:s13+$0xC480];
	v14 =	vsub.f32 v57, v58;
	v4 =	vmul.f32 v4, v4;
	v3 =	vadd.f32 v63, v3  }
0x1b2: {  	v16 =	vld [tilespmem:s13+$0x4480]  }
0x1b3: {  	v19 =	vld [tilespmem:s13+$0xC490];
	v18 =	vsub.f32 v61, v62;
	v17 =	vmul.f32 v14, v14;
	v3 =	vadd.f32 v4, v3  }
0x1b4: {  	v20 =	vld [tilespmem:s13+$0x4490]  }
0x1b5: {  	v23 =	vld [tilespmem:s13+$0xC4A0];
	v21 =	vmul.f32 v18, v18;
	v22 =	vsub.f32 v12, v13;
	v3 =	vadd.f32 v17, v3  }
0x1b6: {  	v24 =	vld [tilespmem:s13+$0x44A0]  }
0x1b7: {  	v27 =	vld [tilespmem:s13+$0xC4B0];
	v26 =	vsub.f32 v15, v16;
	v25 =	vmul.f32 v22, v22;
	v3 =	vadd.f32 v21, v3  }
0x1b8: {  	v28 =	vld [tilespmem:s13+$0x44B0]  }
0x1b9: {  	v31 =	vld [tilespmem:s13+$0xC4C0];
	v30 =	vsub.f32 v19, v20;
	v29 =	vmul.f32 v26, v26;
	v3 =	vadd.f32 v25, v3  }
0x1ba: {  	v32 =	vld [tilespmem:s13+$0x44C0]  }
0x1bb: {  	v35 =	vld [tilespmem:s13+$0xC4D0];
	v34 =	vsub.f32 v23, v24;
	v33 =	vmul.f32 v30, v30;
	v3 =	vadd.f32 v29, v3  }
0x1bc: {  	v36 =	vld [tilespmem:s13+$0x44D0]  }
0x1bd: {  	v39 =	vld [tilespmem:s13+$0xC4E0];
	v38 =	vsub.f32 v27, v28;
	v37 =	vmul.f32 v34, v34;
	v3 =	vadd.f32 v33, v3  }
0x1be: {  	v40 =	vld [tilespmem:s13+$0x44E0]  }
0x1bf: {  	v43 =	vld [tilespmem:s13+$0xC4F0];
	v42 =	vsub.f32 v31, v32;
	v41 =	vmul.f32 v38, v38;
	v3 =	vadd.f32 v37, v3  }
0x1c0: {  	v44 =	vld [tilespmem:s13+$0x44F0]  }
0x1c1: {  	v46 =	vsub.f32 v35, v36;
	v47 =	vld [tilespmem:s13+$0xC880];
	v45 =	vmul.f32 v42, v42;
	v3 =	vadd.f32 v41, v3  }
0x1c2: {  	v48 =	vld [tilespmem:s13+$0x4880]  }
0x1c3: {  	v50 =	vsub.f32 v39, v40;
	v52 =	vld [tilespmem:s13+$0x4890];
	v49 =	vmul.f32 v46, v46;
	v3 =	vadd.f32 v45, v3  }
0x1c4: {  	v51 =	vld [tilespmem:s13+$0xC890]  }
0x1c5: {  	v53 =	vmul.f32 v50, v50;
	v54 =	vsub.f32 v43, v44;
	v56 =	vld [tilespmem:s13+$0x48A0];
	v3 =	vadd.f32 v49, v3  }
0x1c6: {  	v55 =	vld [tilespmem:s13+$0xC8A0]  }
0x1c7: {  	v60 =	vld [tilespmem:s13+$0x48B0];
	v57 =	vmul.f32 v54, v54;
	v58 =	vsub.f32 v47, v48;
	v3 =	vadd.f32 v53, v3  }
0x1c8: {  	v59 =	vld [tilespmem:s13+$0xC8B0]  }
0x1c9: {  	v12 =	vld [tilespmem:s13+$0x48C0];
	v61 =	vmul.f32 v58, v58;
	v62 =	vsub.f32 v51, v52;
	v3 =	vadd.f32 v57, v3  }
0x1ca: {  	v63 =	vld [tilespmem:s13+$0xC8C0]  }
0x1cb: {  	v15 =	vld [tilespmem:s13+$0xC8D0];
	v13 =	vmul.f32 v62, v62;
	v14 =	vsub.f32 v55, v56;
	v3 =	vadd.f32 v61, v3  }
0x1cc: {  	v16 =	vld [tilespmem:s13+$0x48D0]  }
0x1cd: {  	v19 =	vld [tilespmem:s13+$0xC8E0];
	v18 =	vsub.f32 v59, v60;
	v17 =	vmul.f32 v14, v14;
	v3 =	vadd.f32 v13, v3  }
0x1ce: {  	v20 =	vld [tilespmem:s13+$0x48E0]  }
0x1cf: {  	v23 =	vld [tilespmem:s13+$0xC8F0];
	v22 =	vsub.f32 v63, v12;
	v21 =	vmul.f32 v18, v18;
	v3 =	vadd.f32 v17, v3  }
0x1d0: {  	v24 =	vld [tilespmem:s13+$0x48F0]  }
0x1d1: {  	v27 =	vld [tilespmem:s13+$0xCC80];
	v26 =	vsub.f32 v15, v16;
	v25 =	vmul.f32 v22, v22;
	v3 =	vadd.f32 v21, v3  }
0x1d2: {  	v28 =	vld [tilespmem:s13+$0x4C80]  }
0x1d3: {  	v31 =	vld [tilespmem:s13+$0xCC90];
	v30 =	vsub.f32 v19, v20;
	v29 =	vmul.f32 v26, v26;
	v3 =	vadd.f32 v25, v3  }
0x1d4: {  	v32 =	vld [tilespmem:s13+$0x4C90]  }
0x1d5: {  	v35 =	vld [tilespmem:s13+$0xCCA0];
	v34 =	vsub.f32 v23, v24;
	v33 =	vmul.f32 v30, v30;
	v3 =	vadd.f32 v29, v3  }
0x1d6: {  	v36 =	vld [tilespmem:s13+$0x4CA0]  }
0x1d7: {  	v39 =	vld [tilespmem:s13+$0xCCB0];
	v38 =	vsub.f32 v27, v28;
	v37 =	vmul.f32 v34, v34;
	v3 =	vadd.f32 v33, v3  }
0x1d8: {  	v40 =	vld [tilespmem:s13+$0x4CB0]  }
0x1d9: {  	v43 =	vld [tilespmem:s13+$0xCCC0];
	v42 =	vsub.f32 v31, v32;
	v41 =	vmul.f32 v38, v38;
	v3 =	vadd.f32 v37, v3  }
0x1da: {  	v44 =	vld [tilespmem:s13+$0x4CC0]  }
0x1db: {  	v46 =	vsub.f32 v35, v36;
	v47 =	vld [tilespmem:s13+$0xCCD0];
	v45 =	vmul.f32 v42, v42;
	v3 =	vadd.f32 v41, v3  }
0x1dc: {  	v48 =	vld [tilespmem:s13+$0x4CD0]  }
0x1dd: {  	v50 =	vsub.f32 v39, v40;
	v51 =	vld [tilespmem:s13+$0xCCE0];
	v49 =	vmul.f32 v46, v46;
	v3 =	vadd.f32 v45, v3  }
0x1de: {  	v52 =	vld [tilespmem:s13+$0x4CE0]  }
0x1df: {  	v54 =	vsub.f32 v43, v44;
	v55 =	vld [tilespmem:s13+$0xCCF0];
	v53 =	vmul.f32 v50, v50;
	v3 =	vadd.f32 v49, v3  }
0x1e0: {  	v56 =	vld [tilespmem:s13+$0x4CF0]  }
0x1e1: {  	v58 =	vsub.f32 v47, v48;
	v57 =	vmul.f32 v54, v54;
	v3 =	vadd.f32 v53, v3;
	_ =	sdelay $0x1  }
0x1e2: {  	v59 =	vmul.f32 v58, v58;
	v60 =	vsub.f32 v51, v52;
	v3 =	vadd.f32 v57, v3;
	_ =	sdelay $0x1  }
0x1e3: {  	v62 =	vsub.f32 v55, v56;
	v61 =	vmul.f32 v60, v60;
	v3 =	vadd.f32 v59, v3;
	_ =	sdelay $0x1  }
0x1e4: {  	v63 =	vmul.f32 v62, v62;
	v3 =	vadd.f32 v61, v3;
	_ =	sdelay $0x1  }
0x1e5: {  	s12 =	sadd.s32 $0x1, s12;
	v3 =	vadd.f32 v63, v3  }
0x1e6: {  	p0 =	sne.s32 s12, s9  }
.Ltmp2:
0x1e7: {  	[tilespmem:$0x10080] =	vst v3;
	(pc) =	sbr.rel @p0 .LBB2_1-.Ltmp2, $4  }
0x1e8: {  	[hbm4b:s8+s3] =	stream.linear.scatter [tilespmem:s11], [sflag:$0x5], $0x80, $0x38;
	[tilespmem:$0x10100] =	vst v63  }
0x1e9: {  	_ =	swait.ge [sflag:s10], $0x80  }
0x1ea: {  	[sflag:s10] =	ssyncset.done $0x0  }
0x1eb: {  	[sflag:s10] =	ssyncadd.s32 $0xFFFFFF80  }
0x1ec: {  	_ =	sfence.sel $0x180000  }
0x1ed: {  	[bflag:$0x0] =	sbarrier.arrive $0xFFFF  }
0x1ee: {  	_ =	strace $0x90000047  }
0x1ef: {  	s0 =	stileid.u32;
	[bflag:$0x2] =	sbarrier.arrive $0xFFFF  }
0x1f0: {  	p0 =	sne.s32 s0, $0x0;
	s0 =	rddreg [dreg:$0x4]  }
0x1f1: {  	s0 =	sadd.s32 @!p0 $0x100000, s0  }
0x1f2: {  	[sflag:s0] =	ssyncadd.tile.s32 @!p0 $0x1;
	_ =	shalt  }
.Lfunc_end2:
_tile_overlayer_lowered:
.L_overlay_start_2:
0x1f3: {  	(tag) =	ssettag $0x2  }
0x1f4: {  	s0 =	rddreg [dreg:$0x0];
	s2 =	stileid.u32  }
0x1f5: {  	s1 =	rddreg [dreg:$0x1];
	p0 =	sne.s32 s2, $0x0  }
0x1f6: {  	s3 =	rddreg [dreg:$0x2];
	[bflag:$0x3] =	sbarrier.arrive $0xFFFF;
	s2 =	simm.s32 @!p0 $0x1C05  }
0x1f7: {  	[timem:s3], [sflag:s2] =	dma.local @!p0 [hbm:s0], s1  }
0x1f8: {  	s0 =	simm.s32 @!p0 $0x5  }
0x1f9: {  	_ =	swait.ge @!p0 [sflag:s0], s1  }
0x1fa: {  	s1 =	ssub.s32 @!p0 $0x0, s1;
	[sflag:s0] =	ssyncset.done @!p0 $0x0  }
0x1fb: {  	[sflag:s0] =	ssyncadd.s32 @!p0 s1  }
0x1fc: {  	[bflag:$0x3] =	sbarrier.arrive $0xFFFF  }
0x1fd: {  	_ =	shalt  }

</sc_bundles>
